<compile_context>
chip_gen: v7x
topology: tpu7x:2x2x1
jax: 0.10.2.dev20260603
libtpu: 0.0.44.dev20260713+nightly
codegen_flags: <defaults>
</compile_context>

<pallas_src>
import functools

import jax
import jax.numpy as jnp
from jax import lax
from jax.experimental import pallas as pl
from jax.experimental.pallas import tpu as pltpu
from jax.experimental.pallas import tpu_sc as plsc

NN = 10000
EE = 320000
FD = 128
HD = 256
NC, NS = 2, 16
NW = NC * NS
EPW = EE // NW
CH = 125
NCH = EPW // CH
ANN = 10240
RPS = ANN // NS

_MESH = plsc.VectorSubcoreMesh(
    core_axis_name="c", subcore_axis_name="s", num_cores=NC, num_subcores=NS
)


def _fill(ref, nrows, ncols, value):
    v = jnp.full((16,), value, jnp.float32)

    def row(r, carry):
        for cc in range(ncols // 16):
            ref[r, pl.ds(cc * 16, 16)] = v
        return carry

    lax.fori_loop(0, nrows, row, 0)


@functools.partial(
    pl.kernel,
    out_type=jax.ShapeDtypeStruct((NC, ANN, FD), jnp.float32),
    mesh=_MESH,
    scratch_types=[
        pltpu.VMEM((NCH, CH), jnp.int32),
        pltpu.VMEM((CH, FD), jnp.float32),
        pltpu.VMEM_SHARED((ANN, FD), jnp.float32),
    ],
)
def _deg_kernel(dsts_hbm, out_hbm, dst_v, ones_v, acc):
    c = lax.axis_index("c")
    s = lax.axis_index("s")
    w = c * NS + s
    _fill(ones_v, CH, FD, 0.0)
    for k in range(5):
        pltpu.sync_copy(ones_v.at[pl.ds(0, 120)],
                        acc.at[pl.ds(s * RPS + k * 120, 120)])
    pltpu.sync_copy(ones_v.at[pl.ds(0, 40)],
                    acc.at[pl.ds(s * RPS + 600, 40)])
    _fill(ones_v, CH, FD, 1.0)
    pltpu.sync_copy(dsts_hbm.at[w], dst_v)
    plsc.subcore_barrier()

    def body(j, carry):
        pltpu.sync_copy(ones_v, acc.at[dst_v.at[j]], add=True)
        return carry

    lax.fori_loop(0, NCH, body, 0)
    plsc.subcore_barrier()
    pltpu.sync_copy(acc.at[pl.ds(s * RPS, RPS)],
                    out_hbm.at[c].at[pl.ds(s * RPS, RPS)])


@functools.partial(
    pl.kernel,
    out_type=jax.ShapeDtypeStruct((NC, ANN, FD), jnp.float32),
    mesh=_MESH,
    scratch_types=[
        pltpu.VMEM((NCH, CH), jnp.int32),
        pltpu.VMEM((NCH, CH), jnp.int32),
        pltpu.VMEM((CH, FD), jnp.float32),
        pltpu.VMEM_SHARED((ANN, FD), jnp.float32),
        pltpu.SemaphoreType.DMA,
    ],
)
def _agg_kernel(xs_hbm, srcs_hbm, dsts_hbm, out_hbm,
                src_v, dst_v, rows0, acc, sg0):
    c = lax.axis_index("c")
    s = lax.axis_index("s")
    w = c * NS + s
    _fill(rows0, CH, FD, 0.0)
    for k in range(5):
        pltpu.sync_copy(rows0.at[pl.ds(0, 120)],
                        acc.at[pl.ds(s * RPS + k * 120, 120)])
    pltpu.sync_copy(rows0.at[pl.ds(0, 40)],
                    acc.at[pl.ds(s * RPS + 600, 40)])
    pltpu.sync_copy(srcs_hbm.at[w], src_v)
    pltpu.sync_copy(dsts_hbm.at[w], dst_v)
    plsc.subcore_barrier()

    def outer(j, carry):
        pltpu.async_copy(xs_hbm.at[src_v.at[j]], rows0, sg0).wait()
        pltpu.sync_copy(rows0, acc.at[dst_v.at[j]], add=True)
        return carry

    lax.fori_loop(0, NCH, outer, 0)
    plsc.subcore_barrier()
    pltpu.sync_copy(acc.at[pl.ds(s * RPS, RPS)],
                    out_hbm.at[c].at[pl.ds(s * RPS, RPS)])


_BLK = 1000


def _scale_body(d0_ref, d1_ref, x_ref, xs_ref, dinvb_ref):
    deg = d0_ref[:, 0:1] + d1_ref[:, 0:1] + 1.0
    dinv = lax.rsqrt(deg)
    xs_ref[...] = x_ref[...] * dinv
    dinvb_ref[...] = jnp.broadcast_to(dinv, (_BLK, FD))


_scale_call = pl.pallas_call(
    _scale_body,
    grid=(NN // _BLK,),
    in_specs=[
        pl.BlockSpec((_BLK, FD), lambda i: (i, 0)),
        pl.BlockSpec((_BLK, FD), lambda i: (i, 0)),
        pl.BlockSpec((_BLK, FD), lambda i: (i, 0)),
    ],
    out_specs=[
        pl.BlockSpec((_BLK, FD), lambda i: (i, 0)),
        pl.BlockSpec((_BLK, FD), lambda i: (i, 0)),
    ],
    out_shape=[
        jax.ShapeDtypeStruct((NN, FD), jnp.float32),
        jax.ShapeDtypeStruct((NN, FD), jnp.float32),
    ],
)


def _dense_body(p0_ref, p1_ref, xs_ref, dinvb_ref, w1_ref, b1_ref, wmu_ref,
                h2s_ref):
    a1 = dinvb_ref[...] * (p0_ref[...] + p1_ref[...] + xs_ref[...])
    z = jnp.dot(a1, w1_ref[...], preferred_element_type=jnp.float32)
    z = z + b1_ref[...]
    z = jnp.where(z >= 0.0, z, 0.01 * z)
    h2 = jnp.dot(z, wmu_ref[...], preferred_element_type=jnp.float32)
    h2s_ref[...] = h2 * dinvb_ref[...]


_dense_call = pl.pallas_call(
    _dense_body,
    grid=(NN // _BLK,),
    in_specs=[
        pl.BlockSpec((_BLK, FD), lambda i: (i, 0)),
        pl.BlockSpec((_BLK, FD), lambda i: (i, 0)),
        pl.BlockSpec((_BLK, FD), lambda i: (i, 0)),
        pl.BlockSpec((_BLK, FD), lambda i: (i, 0)),
        pl.BlockSpec((FD, HD), lambda i: (0, 0)),
        pl.BlockSpec((1, HD), lambda i: (0, 0)),
        pl.BlockSpec((HD, FD), lambda i: (0, 0)),
    ],
    out_specs=pl.BlockSpec((_BLK, FD), lambda i: (i, 0)),
    out_shape=jax.ShapeDtypeStruct((NN, FD), jnp.float32),
)


def _out_body(q0_ref, q1_ref, h2s_ref, dinvb_ref, bmu_ref, mu_ref):
    mu_ref[...] = (
        dinvb_ref[...] * (q0_ref[...] + q1_ref[...] + h2s_ref[...])
        + bmu_ref[...]
    )


_out_call = pl.pallas_call(
    _out_body,
    grid=(NN // _BLK,),
    in_specs=[
        pl.BlockSpec((_BLK, FD), lambda i: (i, 0)),
        pl.BlockSpec((_BLK, FD), lambda i: (i, 0)),
        pl.BlockSpec((_BLK, FD), lambda i: (i, 0)),
        pl.BlockSpec((_BLK, FD), lambda i: (i, 0)),
        pl.BlockSpec((1, FD), lambda i: (0, 0)),
    ],
    out_specs=pl.BlockSpec((_BLK, FD), lambda i: (i, 0)),
    out_shape=jax.ShapeDtypeStruct((NN, FD), jnp.float32),
)


def kernel(x, edge_index, edge_type, W1, b1, W_mu, b_mu, W_logstd, b_logstd):
    src = edge_index[0].astype(jnp.int32).reshape(NW, NCH, CH)
    dst = edge_index[1].astype(jnp.int32).reshape(NW, NCH, CH)

    degp = _deg_kernel(dst)
    xs, dinvb = _scale_call(degp[0, :NN], degp[1, :NN], x)
    p = _agg_kernel(xs, src, dst)
    h2s = _dense_call(p[0, :NN], p[1, :NN], xs, dinvb,
                      W1, b1.reshape(1, HD), W_mu)
    q = _agg_kernel(h2s, src, dst)
    mu = _out_call(q[0, :NN], q[1, :NN], h2s, dinvb, b_mu.reshape(1, FD))
    return mu

# --- scband reference (transcript-rebuilt; emitter-appended) ---
"""Pipeline reference for scband-gcn-v-encoder-61881888801356 (READ-ONLY COPY).

The authoritative reference and input builder live on the scoring server;
editing this copy changes nothing except your own understanding.
"""

import jax, jax.numpy as jnp
import numpy as np

N = 10000
E = 320000
IN_DIM = 128
Z_DIM = 128


def gcn_conv(x, edge_index, W, b):
    # Faithful PyG GCNConv: linear transform, add self-loops, symmetric
    # degree normalization (gcn_norm), scatter-add aggregation, bias.
    num_nodes = x.shape[0]
    src = edge_index[0]
    dst = edge_index[1]
    loop = jnp.arange(num_nodes, dtype=src.dtype)
    src = jnp.concatenate([src, loop])
    dst = jnp.concatenate([dst, loop])
    deg = jnp.zeros((num_nodes,), dtype=x.dtype).at[dst].add(1.0)
    deg_inv_sqrt = jnp.where(deg > 0, 1.0 / jnp.sqrt(deg), 0.0)
    norm = deg_inv_sqrt[src] * deg_inv_sqrt[dst]
    h = x @ W
    msg = h[src] * norm[:, None]
    out = jnp.zeros((num_nodes, W.shape[1]), dtype=x.dtype).at[dst].add(msg)
    return out + b


def setup_inputs(seed: int = 0) -> dict:
    key = jax.random.key(seed)
    ks = jax.random.split(key, 10)
    x = jax.random.normal(ks[0], (N, IN_DIM), dtype=jnp.float32)
    edge_index = jax.random.randint(ks[1], (2, E), 0, N)
    edge_type = jax.random.randint(ks[2], (E,), 0, 4)
    # GCNConv weights (glorot-ish scaling)
    W1 = jax.random.normal(ks[3], (IN_DIM, 2 * Z_DIM), dtype=jnp.float32) * (1.0 / np.sqrt(IN_DIM))
    b1 = jnp.zeros((2 * Z_DIM,), dtype=jnp.float32)
    W_mu = jax.random.normal(ks[4], (2 * Z_DIM, Z_DIM), dtype=jnp.float32) * (1.0 / np.sqrt(2 * Z_DIM))
    b_mu = jnp.zeros((Z_DIM,), dtype=jnp.float32)
    W_logstd = jax.random.normal(ks[5], (2 * Z_DIM, Z_DIM), dtype=jnp.float32) * (1.0 / np.sqrt(2 * Z_DIM))
    b_logstd = jnp.zeros((Z_DIM,), dtype=jnp.float32)
    return {
        "x": x,
        "edge_index": edge_index,
        "edge_type": edge_type,
        "W1": W1,
        "b1": b1,
        "W_mu": W_mu,
        "b_mu": b_mu,
        "W_logstd": W_logstd,
        "b_logstd": b_logstd,
    }


def reference(x, edge_index, edge_type, W1, b1, W_mu, b_mu, W_logstd, b_logstd):
    # edge_type is accepted but unused, matching the original forward signature.
    z = gcn_conv(x, edge_index, W1, b1)
    z = jax.nn.leaky_relu(z, negative_slope=0.01)
    mu = gcn_conv(z, edge_index, W_mu, b_mu)
    logstd = gcn_conv(z, edge_index, W_logstd, b_logstd)  # computed as in original forward
    # eval mode: reparametrize returns mu; forward returns (mu, ())
    return mu

if __name__ == "__main__":
    import jax
    _d = setup_inputs()
    print(jax.jit(kernel)(*tuple(_d.values())))

</pallas_src>

<mosaic_0001>
#map = affine_map<(d0, d1) -> (0, 0)>
#map1 = affine_map<(d0, d1) -> (0, 0, 0)>
module attributes {stable_mosaic.version = 14 : i64} {
  func.func @_agg_kernel(%arg0: i32, %arg1: i32, %arg2: memref<10000x128xf32, #tpu.memory_space<hbm>>, %arg3: memref<32x80x125xi32, #tpu.memory_space<hbm>>, %arg4: memref<32x80x125xi32, #tpu.memory_space<hbm>>, %arg5: memref<2x10240x128xf32, #tpu.memory_space<hbm>>, %arg6: memref<80x125xi32, #tpu.memory_space<vmem>>, %arg7: memref<80x125xi32, #tpu.memory_space<vmem>>, %arg8: memref<125x128xf32, #tpu.memory_space<vmem>>, %arg9: memref<10240x128xf32, #tpu.memory_space<vmem_shared>>, %arg10: memref<!tpu.dma_semaphore, #tpu.memory_space<semaphore_mem>>) attributes {dimension_semantics = [#tpu.dimension_semantics<core_parallel>, #tpu.dimension_semantics<subcore_parallel>], iteration_bounds = array<i64: 2, 16>, scalar_prefetch = 0 : i64, scratch_operands = 5 : i64, tpu.core_type = #tpu.core_type<sc_vector_subcore>, window_params = [{transform_indices = #map}, {transform_indices = #map1}, {transform_indices = #map1}, {transform_indices = #map1}]} {
    %mul3A = arith.constant 16 : i32
    %mul3A_0 = arith.muli %arg0, %mul3A : i32
    %add3A = arith.addi %mul3A_0, %arg1 : i32
    %broadcast_in_dim3A = arith.constant 0.000000e+00 : f32
    %broadcast_in_dim3A_1 = vector.broadcast %broadcast_in_dim3A : f32 to vector<16xf32>
    %scan3A = arith.constant 0 : i32
    %scan3A_2 = arith.constant 0 : i32
    %scan3A_3 = arith.constant 125 : i32
    %scan3A_4 = arith.addi %scan3A_2, %scan3A_3 : i32
    %scan3A_5 = arith.constant 1 : i32
    scf.for %scan3A_42 = %scan3A_2 to %scan3A_4 step %scan3A_5  : i32 {
      %swap3A = arith.index_cast %scan3A_42 : i32 to index
      %swap3A_43 = arith.constant 0 : index
      %swap3A_44 = tpu.vector_load %arg8[%swap3A, %swap3A_43] {strides = array<i32>} : memref<125x128xf32, #tpu.memory_space<vmem>>, vector<1x16xf32>,
      %swap3A_45 = vector.shape_cast %swap3A_44 : vector<1x16xf32> to vector<16xf32>
      %swap3A_46 = vector.shape_cast %broadcast_in_dim3A_1 : vector<16xf32> to vector<1x16xf32>
      tpu.vector_store %arg8[%swap3A, %swap3A_43], %swap3A_46 {strides = array<i32>} : memref<125x128xf32, #tpu.memory_space<vmem>>, vector<1x16xf32>,
      %swap3A_47 = arith.index_cast %scan3A_42 : i32 to index
      %swap3A_48 = arith.constant 16 : index
      %swap3A_49 = tpu.vector_load %arg8[%swap3A_47, %swap3A_48] {strides = array<i32>} : memref<125x128xf32, #tpu.memory_space<vmem>>, vector<1x16xf32>,
      %swap3A_50 = vector.shape_cast %swap3A_49 : vector<1x16xf32> to vector<16xf32>
      %swap3A_51 = vector.shape_cast %broadcast_in_dim3A_1 : vector<16xf32> to vector<1x16xf32>
      tpu.vector_store %arg8[%swap3A_47, %swap3A_48], %swap3A_51 {strides = array<i32>} : memref<125x128xf32, #tpu.memory_space<vmem>>, vector<1x16xf32>,
      %swap3A_52 = arith.index_cast %scan3A_42 : i32 to index
      %swap3A_53 = arith.constant 32 : index
      %swap3A_54 = tpu.vector_load %arg8[%swap3A_52, %swap3A_53] {strides = array<i32>} : memref<125x128xf32, #tpu.memory_space<vmem>>, vector<1x16xf32>,
      %swap3A_55 = vector.shape_cast %swap3A_54 : vector<1x16xf32> to vector<16xf32>
      %swap3A_56 = vector.shape_cast %broadcast_in_dim3A_1 : vector<16xf32> to vector<1x16xf32>
      tpu.vector_store %arg8[%swap3A_52, %swap3A_53], %swap3A_56 {strides = array<i32>} : memref<125x128xf32, #tpu.memory_space<vmem>>, vector<1x16xf32>,
      %swap3A_57 = arith.index_cast %scan3A_42 : i32 to index
      %swap3A_58 = arith.constant 48 : index
      %swap3A_59 = tpu.vector_load %arg8[%swap3A_57, %swap3A_58] {strides = array<i32>} : memref<125x128xf32, #tpu.memory_space<vmem>>, vector<1x16xf32>,
      %swap3A_60 = vector.shape_cast %swap3A_59 : vector<1x16xf32> to vector<16xf32>
      %swap3A_61 = vector.shape_cast %broadcast_in_dim3A_1 : vector<16xf32> to vector<1x16xf32>
      tpu.vector_store %arg8[%swap3A_57, %swap3A_58], %swap3A_61 {strides = array<i32>} : memref<125x128xf32, #tpu.memory_space<vmem>>, vector<1x16xf32>,
      %swap3A_62 = arith.index_cast %scan3A_42 : i32 to index
      %swap3A_63 = arith.constant 64 : index
      %swap3A_64 = tpu.vector_load %arg8[%swap3A_62, %swap3A_63] {strides = array<i32>} : memref<125x128xf32, #tpu.memory_space<vmem>>, vector<1x16xf32>,
      %swap3A_65 = vector.shape_cast %swap3A_64 : vector<1x16xf32> to vector<16xf32>
      %swap3A_66 = vector.shape_cast %broadcast_in_dim3A_1 : vector<16xf32> to vector<1x16xf32>
      tpu.vector_store %arg8[%swap3A_62, %swap3A_63], %swap3A_66 {strides = array<i32>} : memref<125x128xf32, #tpu.memory_space<vmem>>, vector<1x16xf32>,
      %swap3A_67 = arith.index_cast %scan3A_42 : i32 to index
      %swap3A_68 = arith.constant 80 : index
      %swap3A_69 = tpu.vector_load %arg8[%swap3A_67, %swap3A_68] {strides = array<i32>} : memref<125x128xf32, #tpu.memory_space<vmem>>, vector<1x16xf32>,
      %swap3A_70 = vector.shape_cast %swap3A_69 : vector<1x16xf32> to vector<16xf32>
      %swap3A_71 = vector.shape_cast %broadcast_in_dim3A_1 : vector<16xf32> to vector<1x16xf32>
      tpu.vector_store %arg8[%swap3A_67, %swap3A_68], %swap3A_71 {strides = array<i32>} : memref<125x128xf32, #tpu.memory_space<vmem>>, vector<1x16xf32>,
      %swap3A_72 = arith.index_cast %scan3A_42 : i32 to index
      %swap3A_73 = arith.constant 96 : index
      %swap3A_74 = tpu.vector_load %arg8[%swap3A_72, %swap3A_73] {strides = array<i32>} : memref<125x128xf32, #tpu.memory_space<vmem>>, vector<1x16xf32>,
      %swap3A_75 = vector.shape_cast %swap3A_74 : vector<1x16xf32> to vector<16xf32>
      %swap3A_76 = vector.shape_cast %broadcast_in_dim3A_1 : vector<16xf32> to vector<1x16xf32>
      tpu.vector_store %arg8[%swap3A_72, %swap3A_73], %swap3A_76 {strides = array<i32>} : memref<125x128xf32, #tpu.memory_space<vmem>>, vector<1x16xf32>,
      %swap3A_77 = arith.index_cast %scan3A_42 : i32 to index
      %swap3A_78 = arith.constant 112 : index
      %swap3A_79 = tpu.vector_load %arg8[%swap3A_77, %swap3A_78] {strides = array<i32>} : memref<125x128xf32, #tpu.memory_space<vmem>>, vector<1x16xf32>,
      %swap3A_80 = vector.shape_cast %swap3A_79 : vector<1x16xf32> to vector<16xf32>
      %swap3A_81 = vector.shape_cast %broadcast_in_dim3A_1 : vector<16xf32> to vector<1x16xf32>
      tpu.vector_store %arg8[%swap3A_77, %swap3A_78], %swap3A_81 {strides = array<i32>} : memref<125x128xf32, #tpu.memory_space<vmem>>, vector<1x16xf32>,
    }
    %scan3A_6 = arith.constant 125 : i32
    %mul3A_7 = arith.constant 640 : i32
    %mul3A_8 = arith.muli %arg1, %mul3A_7 : i32
    %add3A_9 = arith.constant 0 : i32
    %add3A_10 = arith.addi %mul3A_8, %add3A_9 : i32
    "tpu.region"() ({
      %run_scoped3A = tpu.sem_alloc : memref<!tpu.dma_semaphore, #tpu.memory_space<semaphore_mem>>
      %dma_start3A = arith.constant 0 : i32
      %dma_start3A_42 = arith.constant 0 : i32
      %dma_start3A_43 = tpu.memref_slice %arg8[%dma_start3A, %dma_start3A_42] : memref<125x128xf32, #tpu.memory_space<vmem>> -> memref<120x128xf32, #tpu.memory_space<vmem>>
      %dma_start3A_44 = arith.constant 0 : i32
      %dma_start3A_45 = tpu.memref_slice %arg9[%add3A_10, %dma_start3A_44] : memref<10240x128xf32, #tpu.memory_space<vmem_shared>> -> memref<120x128xf32, #tpu.memory_space<vmem_shared>>
      %dma_start3A_46 = arith.constant 0 : i32
      %dma_start3A_47 = tpu.memref_slice %arg9[%add3A_10, %dma_start3A_46] : memref<10240x128xf32, #tpu.memory_space<vmem_shared>> -> memref<120x128xf32, #tpu.memory_space<vmem_shared>>
      %dma_start3A_48 = arith.constant 0 : i32
      %dma_start3A_49 = arith.constant 0 : i32
      %dma_start3A_50 = tpu.memref_slice %arg8[%dma_start3A_48, %dma_start3A_49] : memref<125x128xf32, #tpu.memory_space<vmem>> -> memref<120x128xf32, #tpu.memory_space<vmem>>
      tpu.enqueue_dma source(%dma_start3A_50 : memref<120x128xf32, #tpu.memory_space<vmem>>) target(%dma_start3A_47 : memref<120x128xf32, #tpu.memory_space<vmem_shared>>) target_semaphore(%run_scoped3A : memref<!tpu.dma_semaphore, #tpu.memory_space<semaphore_mem>>)
      %dma_wait3A = arith.constant 0 : i32
      %dma_wait3A_51 = arith.constant 0 : i32
      %dma_wait3A_52 = tpu.memref_slice %arg8[%dma_wait3A, %dma_wait3A_51] : memref<125x128xf32, #tpu.memory_space<vmem>> -> memref<120x128xf32, #tpu.memory_space<vmem>>
      %dma_wait3A_53 = arith.constant 0 : i32
      %dma_wait3A_54 = tpu.memref_slice %arg9[%add3A_10, %dma_wait3A_53] : memref<10240x128xf32, #tpu.memory_space<vmem_shared>> -> memref<120x128xf32, #tpu.memory_space<vmem_shared>>
      %dma_wait3A_55 = arith.constant 0 : i32
      %dma_wait3A_56 = tpu.memref_slice %arg9[%add3A_10, %dma_wait3A_55] : memref<10240x128xf32, #tpu.memory_space<vmem_shared>> -> memref<120x128xf32, #tpu.memory_space<vmem_shared>>
      %dma_wait3A_57 = arith.constant 0 : i32
      %dma_wait3A_58 = arith.constant 0 : i32
      %dma_wait3A_59 = tpu.memref_slice %arg8[%dma_wait3A_57, %dma_wait3A_58] : memref<125x128xf32, #tpu.memory_space<vmem>> -> memref<120x128xf32, #tpu.memory_space<vmem>>
      tpu.wait_dma2 semaphore(%run_scoped3A : memref<!tpu.dma_semaphore, #tpu.memory_space<semaphore_mem>>) src(%dma_wait3A_59 : memref<120x128xf32, #tpu.memory_space<vmem>>) dst(%dma_wait3A_56 : memref<120x128xf32, #tpu.memory_space<vmem_shared>>)
      tpu.yield
    }) : () -> ()
    %mul3A_11 = arith.constant 640 : i32
    %mul3A_12 = arith.muli %arg1, %mul3A_11 : i32
    %add3A_13 = arith.constant 120 : i32
    %add3A_14 = arith.addi %mul3A_12, %add3A_13 : i32
    "tpu.region"() ({
      %run_scoped3A = tpu.sem_alloc : memref<!tpu.dma_semaphore, #tpu.memory_space<semaphore_mem>>
      %dma_start3A = arith.constant 0 : i32
      %dma_start3A_42 = arith.constant 0 : i32
      %dma_start3A_43 = tpu.memref_slice %arg8[%dma_start3A, %dma_start3A_42] : memref<125x128xf32, #tpu.memory_space<vmem>> -> memref<120x128xf32, #tpu.memory_space<vmem>>
      %dma_start3A_44 = arith.constant 0 : i32
      %dma_start3A_45 = tpu.memref_slice %arg9[%add3A_14, %dma_start3A_44] : memref<10240x128xf32, #tpu.memory_space<vmem_shared>> -> memref<120x128xf32, #tpu.memory_space<vmem_shared>>
      %dma_start3A_46 = arith.constant 0 : i32
      %dma_start3A_47 = tpu.memref_slice %arg9[%add3A_14, %dma_start3A_46] : memref<10240x128xf32, #tpu.memory_space<vmem_shared>> -> memref<120x128xf32, #tpu.memory_space<vmem_shared>>
      %dma_start3A_48 = arith.constant 0 : i32
      %dma_start3A_49 = arith.constant 0 : i32
      %dma_start3A_50 = tpu.memref_slice %arg8[%dma_start3A_48, %dma_start3A_49] : memref<125x128xf32, #tpu.memory_space<vmem>> -> memref<120x128xf32, #tpu.memory_space<vmem>>
      tpu.enqueue_dma source(%dma_start3A_50 : memref<120x128xf32, #tpu.memory_space<vmem>>) target(%dma_start3A_47 : memref<120x128xf32, #tpu.memory_space<vmem_shared>>) target_semaphore(%run_scoped3A : memref<!tpu.dma_semaphore, #tpu.memory_space<semaphore_mem>>)
      %dma_wait3A = arith.constant 0 : i32
      %dma_wait3A_51 = arith.constant 0 : i32
      %dma_wait3A_52 = tpu.memref_slice %arg8[%dma_wait3A, %dma_wait3A_51] : memref<125x128xf32, #tpu.memory_space<vmem>> -> memref<120x128xf32, #tpu.memory_space<vmem>>
      %dma_wait3A_53 = arith.constant 0 : i32
      %dma_wait3A_54 = tpu.memref_slice %arg9[%add3A_14, %dma_wait3A_53] : memref<10240x128xf32, #tpu.memory_space<vmem_shared>> -> memref<120x128xf32, #tpu.memory_space<vmem_shared>>
      %dma_wait3A_55 = arith.constant 0 : i32
      %dma_wait3A_56 = tpu.memref_slice %arg9[%add3A_14, %dma_wait3A_55] : memref<10240x128xf32, #tpu.memory_space<vmem_shared>> -> memref<120x128xf32, #tpu.memory_space<vmem_shared>>
      %dma_wait3A_57 = arith.constant 0 : i32
      %dma_wait3A_58 = arith.constant 0 : i32
      %dma_wait3A_59 = tpu.memref_slice %arg8[%dma_wait3A_57, %dma_wait3A_58] : memref<125x128xf32, #tpu.memory_space<vmem>> -> memref<120x128xf32, #tpu.memory_space<vmem>>
      tpu.wait_dma2 semaphore(%run_scoped3A : memref<!tpu.dma_semaphore, #tpu.memory_space<semaphore_mem>>) src(%dma_wait3A_59 : memref<120x128xf32, #tpu.memory_space<vmem>>) dst(%dma_wait3A_56 : memref<120x128xf32, #tpu.memory_space<vmem_shared>>)
      tpu.yield
    }) : () -> ()
    %mul3A_15 = arith.constant 640 : i32
    %mul3A_16 = arith.muli %arg1, %mul3A_15 : i32
    %add3A_17 = arith.constant 240 : i32
    %add3A_18 = arith.addi %mul3A_16, %add3A_17 : i32
    "tpu.region"() ({
      %run_scoped3A = tpu.sem_alloc : memref<!tpu.dma_semaphore, #tpu.memory_space<semaphore_mem>>
      %dma_start3A = arith.constant 0 : i32
      %dma_start3A_42 = arith.constant 0 : i32
      %dma_start3A_43 = tpu.memref_slice %arg8[%dma_start3A, %dma_start3A_42] : memref<125x128xf32, #tpu.memory_space<vmem>> -> memref<120x128xf32, #tpu.memory_space<vmem>>
      %dma_start3A_44 = arith.constant 0 : i32
      %dma_start3A_45 = tpu.memref_slice %arg9[%add3A_18, %dma_start3A_44] : memref<10240x128xf32, #tpu.memory_space<vmem_shared>> -> memref<120x128xf32, #tpu.memory_space<vmem_shared>>
      %dma_start3A_46 = arith.constant 0 : i32
      %dma_start3A_47 = tpu.memref_slice %arg9[%add3A_18, %dma_start3A_46] : memref<10240x128xf32, #tpu.memory_space<vmem_shared>> -> memref<120x128xf32, #tpu.memory_space<vmem_shared>>
      %dma_start3A_48 = arith.constant 0 : i32
      %dma_start3A_49 = arith.constant 0 : i32
      %dma_start3A_50 = tpu.memref_slice %arg8[%dma_start3A_48, %dma_start3A_49] : memref<125x128xf32, #tpu.memory_space<vmem>> -> memref<120x128xf32, #tpu.memory_space<vmem>>
      tpu.enqueue_dma source(%dma_start3A_50 : memref<120x128xf32, #tpu.memory_space<vmem>>) target(%dma_start3A_47 : memref<120x128xf32, #tpu.memory_space<vmem_shared>>) target_semaphore(%run_scoped3A : memref<!tpu.dma_semaphore, #tpu.memory_space<semaphore_mem>>)
      %dma_wait3A = arith.constant 0 : i32
      %dma_wait3A_51 = arith.constant 0 : i32
      %dma_wait3A_52 = tpu.memref_slice %arg8[%dma_wait3A, %dma_wait3A_51] : memref<125x128xf32, #tpu.memory_space<vmem>> -> memref<120x128xf32, #tpu.memory_space<vmem>>
      %dma_wait3A_53 = arith.constant 0 : i32
      %dma_wait3A_54 = tpu.memref_slice %arg9[%add3A_18, %dma_wait3A_53] : memref<10240x128xf32, #tpu.memory_space<vmem_shared>> -> memref<120x128xf32, #tpu.memory_space<vmem_shared>>
      %dma_wait3A_55 = arith.constant 0 : i32
      %dma_wait3A_56 = tpu.memref_slice %arg9[%add3A_18, %dma_wait3A_55] : memref<10240x128xf32, #tpu.memory_space<vmem_shared>> -> memref<120x128xf32, #tpu.memory_space<vmem_shared>>
      %dma_wait3A_57 = arith.constant 0 : i32
      %dma_wait3A_58 = arith.constant 0 : i32
      %dma_wait3A_59 = tpu.memref_slice %arg8[%dma_wait3A_57, %dma_wait3A_58] : memref<125x128xf32, #tpu.memory_space<vmem>> -> memref<120x128xf32, #tpu.memory_space<vmem>>
      tpu.wait_dma2 semaphore(%run_scoped3A : memref<!tpu.dma_semaphore, #tpu.memory_space<semaphore_mem>>) src(%dma_wait3A_59 : memref<120x128xf32, #tpu.memory_space<vmem>>) dst(%dma_wait3A_56 : memref<120x128xf32, #tpu.memory_space<vmem_shared>>)
      tpu.yield
    }) : () -> ()
    %mul3A_19 = arith.constant 640 : i32
    %mul3A_20 = arith.muli %arg1, %mul3A_19 : i32
    %add3A_21 = arith.constant 360 : i32
    %add3A_22 = arith.addi %mul3A_20, %add3A_21 : i32
    "tpu.region"() ({
      %run_scoped3A = tpu.sem_alloc : memref<!tpu.dma_semaphore, #tpu.memory_space<semaphore_mem>>
      %dma_start3A = arith.constant 0 : i32
      %dma_start3A_42 = arith.constant 0 : i32
      %dma_start3A_43 = tpu.memref_slice %arg8[%dma_start3A, %dma_start3A_42] : memref<125x128xf32, #tpu.memory_space<vmem>> -> memref<120x128xf32, #tpu.memory_space<vmem>>
      %dma_start3A_44 = arith.constant 0 : i32
      %dma_start3A_45 = tpu.memref_slice %arg9[%add3A_22, %dma_start3A_44] : memref<10240x128xf32, #tpu.memory_space<vmem_shared>> -> memref<120x128xf32, #tpu.memory_space<vmem_shared>>
      %dma_start3A_46 = arith.constant 0 : i32
      %dma_start3A_47 = tpu.memref_slice %arg9[%add3A_22, %dma_start3A_46] : memref<10240x128xf32, #tpu.memory_space<vmem_shared>> -> memref<120x128xf32, #tpu.memory_space<vmem_shared>>
      %dma_start3A_48 = arith.constant 0 : i32
      %dma_start3A_49 = arith.constant 0 : i32
      %dma_start3A_50 = tpu.memref_slice %arg8[%dma_start3A_48, %dma_start3A_49] : memref<125x128xf32, #tpu.memory_space<vmem>> -> memref<120x128xf32, #tpu.memory_space<vmem>>
      tpu.enqueue_dma source(%dma_start3A_50 : memref<120x128xf32, #tpu.memory_space<vmem>>) target(%dma_start3A_47 : memref<120x128xf32, #tpu.memory_space<vmem_shared>>) target_semaphore(%run_scoped3A : memref<!tpu.dma_semaphore, #tpu.memory_space<semaphore_mem>>)
      %dma_wait3A = arith.constant 0 : i32
      %dma_wait3A_51 = arith.constant 0 : i32
      %dma_wait3A_52 = tpu.memref_slice %arg8[%dma_wait3A, %dma_wait3A_51] : memref<125x128xf32, #tpu.memory_space<vmem>> -> memref<120x128xf32, #tpu.memory_space<vmem>>
      %dma_wait3A_53 = arith.constant 0 : i32
      %dma_wait3A_54 = tpu.memref_slice %arg9[%add3A_22, %dma_wait3A_53] : memref<10240x128xf32, #tpu.memory_space<vmem_shared>> -> memref<120x128xf32, #tpu.memory_space<vmem_shared>>
      %dma_wait3A_55 = arith.constant 0 : i32
      %dma_wait3A_56 = tpu.memref_slice %arg9[%add3A_22, %dma_wait3A_55] : memref<10240x128xf32, #tpu.memory_space<vmem_shared>> -> memref<120x128xf32, #tpu.memory_space<vmem_shared>>
      %dma_wait3A_57 = arith.constant 0 : i32
      %dma_wait3A_58 = arith.constant 0 : i32
      %dma_wait3A_59 = tpu.memref_slice %arg8[%dma_wait3A_57, %dma_wait3A_58] : memref<125x128xf32, #tpu.memory_space<vmem>> -> memref<120x128xf32, #tpu.memory_space<vmem>>
      tpu.wait_dma2 semaphore(%run_scoped3A : memref<!tpu.dma_semaphore, #tpu.memory_space<semaphore_mem>>) src(%dma_wait3A_59 : memref<120x128xf32, #tpu.memory_space<vmem>>) dst(%dma_wait3A_56 : memref<120x128xf32, #tpu.memory_space<vmem_shared>>)
      tpu.yield
    }) : () -> ()
    %mul3A_23 = arith.constant 640 : i32
    %mul3A_24 = arith.muli %arg1, %mul3A_23 : i32
    %add3A_25 = arith.constant 480 : i32
    %add3A_26 = arith.addi %mul3A_24, %add3A_25 : i32
    "tpu.region"() ({
      %run_scoped3A = tpu.sem_alloc : memref<!tpu.dma_semaphore, #tpu.memory_space<semaphore_mem>>
      %dma_start3A = arith.constant 0 : i32
      %dma_start3A_42 = arith.constant 0 : i32
      %dma_start3A_43 = tpu.memref_slice %arg8[%dma_start3A, %dma_start3A_42] : memref<125x128xf32, #tpu.memory_space<vmem>> -> memref<120x128xf32, #tpu.memory_space<vmem>>
      %dma_start3A_44 = arith.constant 0 : i32
      %dma_start3A_45 = tpu.memref_slice %arg9[%add3A_26, %dma_start3A_44] : memref<10240x128xf32, #tpu.memory_space<vmem_shared>> -> memref<120x128xf32, #tpu.memory_space<vmem_shared>>
      %dma_start3A_46 = arith.constant 0 : i32
      %dma_start3A_47 = tpu.memref_slice %arg9[%add3A_26, %dma_start3A_46] : memref<10240x128xf32, #tpu.memory_space<vmem_shared>> -> memref<120x128xf32, #tpu.memory_space<vmem_shared>>
      %dma_start3A_48 = arith.constant 0 : i32
      %dma_start3A_49 = arith.constant 0 : i32
      %dma_start3A_50 = tpu.memref_slice %arg8[%dma_start3A_48, %dma_start3A_49] : memref<125x128xf32, #tpu.memory_space<vmem>> -> memref<120x128xf32, #tpu.memory_space<vmem>>
      tpu.enqueue_dma source(%dma_start3A_50 : memref<120x128xf32, #tpu.memory_space<vmem>>) target(%dma_start3A_47 : memref<120x128xf32, #tpu.memory_space<vmem_shared>>) target_semaphore(%run_scoped3A : memref<!tpu.dma_semaphore, #tpu.memory_space<semaphore_mem>>)
      %dma_wait3A = arith.constant 0 : i32
      %dma_wait3A_51 = arith.constant 0 : i32
      %dma_wait3A_52 = tpu.memref_slice %arg8[%dma_wait3A, %dma_wait3A_51] : memref<125x128xf32, #tpu.memory_space<vmem>> -> memref<120x128xf32, #tpu.memory_space<vmem>>
      %dma_wait3A_53 = arith.constant 0 : i32
      %dma_wait3A_54 = tpu.memref_slice %arg9[%add3A_26, %dma_wait3A_53] : memref<10240x128xf32, #tpu.memory_space<vmem_shared>> -> memref<120x128xf32, #tpu.memory_space<vmem_shared>>
      %dma_wait3A_55 = arith.constant 0 : i32
      %dma_wait3A_56 = tpu.memref_slice %arg9[%add3A_26, %dma_wait3A_55] : memref<10240x128xf32, #tpu.memory_space<vmem_shared>> -> memref<120x128xf32, #tpu.memory_space<vmem_shared>>
      %dma_wait3A_57 = arith.constant 0 : i32
      %dma_wait3A_58 = arith.constant 0 : i32
      %dma_wait3A_59 = tpu.memref_slice %arg8[%dma_wait3A_57, %dma_wait3A_58] : memref<125x128xf32, #tpu.memory_space<vmem>> -> memref<120x128xf32, #tpu.memory_space<vmem>>
      tpu.wait_dma2 semaphore(%run_scoped3A : memref<!tpu.dma_semaphore, #tpu.memory_space<semaphore_mem>>) src(%dma_wait3A_59 : memref<120x128xf32, #tpu.memory_space<vmem>>) dst(%dma_wait3A_56 : memref<120x128xf32, #tpu.memory_space<vmem_shared>>)
      tpu.yield
    }) : () -> ()
    %mul3A_27 = arith.constant 640 : i32
    %mul3A_28 = arith.muli %arg1, %mul3A_27 : i32
    %add3A_29 = arith.constant 600 : i32
    %add3A_30 = arith.addi %mul3A_28, %add3A_29 : i32
    "tpu.region"() ({
      %run_scoped3A = tpu.sem_alloc : memref<!tpu.dma_semaphore, #tpu.memory_space<semaphore_mem>>
      %dma_start3A = arith.constant 0 : i32
      %dma_start3A_42 = arith.constant 0 : i32
      %dma_start3A_43 = tpu.memref_slice %arg8[%dma_start3A, %dma_start3A_42] : memref<125x128xf32, #tpu.memory_space<vmem>> -> memref<40x128xf32, #tpu.memory_space<vmem>>
      %dma_start3A_44 = arith.constant 0 : i32
      %dma_start3A_45 = tpu.memref_slice %arg9[%add3A_30, %dma_start3A_44] : memref<10240x128xf32, #tpu.memory_space<vmem_shared>> -> memref<40x128xf32, #tpu.memory_space<vmem_shared>>
      %dma_start3A_46 = arith.constant 0 : i32
      %dma_start3A_47 = tpu.memref_slice %arg9[%add3A_30, %dma_start3A_46] : memref<10240x128xf32, #tpu.memory_space<vmem_shared>> -> memref<40x128xf32, #tpu.memory_space<vmem_shared>>
      %dma_start3A_48 = arith.constant 0 : i32
      %dma_start3A_49 = arith.constant 0 : i32
      %dma_start3A_50 = tpu.memref_slice %arg8[%dma_start3A_48, %dma_start3A_49] : memref<125x128xf32, #tpu.memory_space<vmem>> -> memref<40x128xf32, #tpu.memory_space<vmem>>
      tpu.enqueue_dma source(%dma_start3A_50 : memref<40x128xf32, #tpu.memory_space<vmem>>) target(%dma_start3A_47 : memref<40x128xf32, #tpu.memory_space<vmem_shared>>) target_semaphore(%run_scoped3A : memref<!tpu.dma_semaphore, #tpu.memory_space<semaphore_mem>>)
      %dma_wait3A = arith.constant 0 : i32
      %dma_wait3A_51 = arith.constant 0 : i32
      %dma_wait3A_52 = tpu.memref_slice %arg8[%dma_wait3A, %dma_wait3A_51] : memref<125x128xf32, #tpu.memory_space<vmem>> -> memref<40x128xf32, #tpu.memory_space<vmem>>
      %dma_wait3A_53 = arith.constant 0 : i32
      %dma_wait3A_54 = tpu.memref_slice %arg9[%add3A_30, %dma_wait3A_53] : memref<10240x128xf32, #tpu.memory_space<vmem_shared>> -> memref<40x128xf32, #tpu.memory_space<vmem_shared>>
      %dma_wait3A_55 = arith.constant 0 : i32
      %dma_wait3A_56 = tpu.memref_slice %arg9[%add3A_30, %dma_wait3A_55] : memref<10240x128xf32, #tpu.memory_space<vmem_shared>> -> memref<40x128xf32, #tpu.memory_space<vmem_shared>>
      %dma_wait3A_57 = arith.constant 0 : i32
      %dma_wait3A_58 = arith.constant 0 : i32
      %dma_wait3A_59 = tpu.memref_slice %arg8[%dma_wait3A_57, %dma_wait3A_58] : memref<125x128xf32, #tpu.memory_space<vmem>> -> memref<40x128xf32, #tpu.memory_space<vmem>>
      tpu.wait_dma2 semaphore(%run_scoped3A : memref<!tpu.dma_semaphore, #tpu.memory_space<semaphore_mem>>) src(%dma_wait3A_59 : memref<40x128xf32, #tpu.memory_space<vmem>>) dst(%dma_wait3A_56 : memref<40x128xf32, #tpu.memory_space<vmem_shared>>)
      tpu.yield
    }) : () -> ()
    "tpu.region"() ({
      %run_scoped3A = tpu.sem_alloc : memref<!tpu.dma_semaphore, #tpu.memory_space<semaphore_mem>>
      %dma_start3A = arith.constant 0 : i32
      %dma_start3A_42 = arith.constant 0 : i32
      %dma_start3A_43 = tpu.memref_slice %arg3[%add3A, %dma_start3A, %dma_start3A_42] : memref<32x80x125xi32, #tpu.memory_space<hbm>> -> memref<1x80x125xi32, #tpu.memory_space<hbm>>
      %dma_start3A_44 = tpu.memref_squeeze %dma_start3A_43 : memref<1x80x125xi32, #tpu.memory_space<hbm>> -> memref<80x125xi32, #tpu.memory_space<hbm>>
      %dma_start3A_45 = arith.constant 0 : i32
      %dma_start3A_46 = arith.constant 0 : i32
      %dma_start3A_47 = tpu.memref_slice %arg3[%add3A, %dma_start3A_45, %dma_start3A_46] : memref<32x80x125xi32, #tpu.memory_space<hbm>> -> memref<1x80x125xi32, #tpu.memory_space<hbm>>
      %dma_start3A_48 = tpu.memref_squeeze %dma_start3A_47 : memref<1x80x125xi32, #tpu.memory_space<hbm>> -> memref<80x125xi32, #tpu.memory_space<hbm>>
      tpu.enqueue_dma source(%dma_start3A_48 : memref<80x125xi32, #tpu.memory_space<hbm>>) target(%arg6 : memref<80x125xi32, #tpu.memory_space<vmem>>) target_semaphore(%run_scoped3A : memref<!tpu.dma_semaphore, #tpu.memory_space<semaphore_mem>>)
      %dma_wait3A = arith.constant 0 : i32
      %dma_wait3A_49 = arith.constant 0 : i32
      %dma_wait3A_50 = tpu.memref_slice %arg3[%add3A, %dma_wait3A, %dma_wait3A_49] : memref<32x80x125xi32, #tpu.memory_space<hbm>> -> memref<1x80x125xi32, #tpu.memory_space<hbm>>
      %dma_wait3A_51 = tpu.memref_squeeze %dma_wait3A_50 : memref<1x80x125xi32, #tpu.memory_space<hbm>> -> memref<80x125xi32, #tpu.memory_space<hbm>>
      %dma_wait3A_52 = arith.constant 0 : i32
      %dma_wait3A_53 = arith.constant 0 : i32
      %dma_wait3A_54 = tpu.memref_slice %arg3[%add3A, %dma_wait3A_52, %dma_wait3A_53] : memref<32x80x125xi32, #tpu.memory_space<hbm>> -> memref<1x80x125xi32, #tpu.memory_space<hbm>>
      %dma_wait3A_55 = tpu.memref_squeeze %dma_wait3A_54 : memref<1x80x125xi32, #tpu.memory_space<hbm>> -> memref<80x125xi32, #tpu.memory_space<hbm>>
      tpu.wait_dma2 semaphore(%run_scoped3A : memref<!tpu.dma_semaphore, #tpu.memory_space<semaphore_mem>>) src(%dma_wait3A_55 : memref<80x125xi32, #tpu.memory_space<hbm>>) dst(%arg6 : memref<80x125xi32, #tpu.memory_space<vmem>>)
      tpu.yield
    }) : () -> ()
    "tpu.region"() ({
      %run_scoped3A = tpu.sem_alloc : memref<!tpu.dma_semaphore, #tpu.memory_space<semaphore_mem>>
      %dma_start3A = arith.constant 0 : i32
      %dma_start3A_42 = arith.constant 0 : i32
      %dma_start3A_43 = tpu.memref_slice %arg4[%add3A, %dma_start3A, %dma_start3A_42] : memref<32x80x125xi32, #tpu.memory_space<hbm>> -> memref<1x80x125xi32, #tpu.memory_space<hbm>>
      %dma_start3A_44 = tpu.memref_squeeze %dma_start3A_43 : memref<1x80x125xi32, #tpu.memory_space<hbm>> -> memref<80x125xi32, #tpu.memory_space<hbm>>
      %dma_start3A_45 = arith.constant 0 : i32
      %dma_start3A_46 = arith.constant 0 : i32
      %dma_start3A_47 = tpu.memref_slice %arg4[%add3A, %dma_start3A_45, %dma_start3A_46] : memref<32x80x125xi32, #tpu.memory_space<hbm>> -> memref<1x80x125xi32, #tpu.memory_space<hbm>>
      %dma_start3A_48 = tpu.memref_squeeze %dma_start3A_47 : memref<1x80x125xi32, #tpu.memory_space<hbm>> -> memref<80x125xi32, #tpu.memory_space<hbm>>
      tpu.enqueue_dma source(%dma_start3A_48 : memref<80x125xi32, #tpu.memory_space<hbm>>) target(%arg7 : memref<80x125xi32, #tpu.memory_space<vmem>>) target_semaphore(%run_scoped3A : memref<!tpu.dma_semaphore, #tpu.memory_space<semaphore_mem>>)
      %dma_wait3A = arith.constant 0 : i32
      %dma_wait3A_49 = arith.constant 0 : i32
      %dma_wait3A_50 = tpu.memref_slice %arg4[%add3A, %dma_wait3A, %dma_wait3A_49] : memref<32x80x125xi32, #tpu.memory_space<hbm>> -> memref<1x80x125xi32, #tpu.memory_space<hbm>>
      %dma_wait3A_51 = tpu.memref_squeeze %dma_wait3A_50 : memref<1x80x125xi32, #tpu.memory_space<hbm>> -> memref<80x125xi32, #tpu.memory_space<hbm>>
      %dma_wait3A_52 = arith.constant 0 : i32
      %dma_wait3A_53 = arith.constant 0 : i32
      %dma_wait3A_54 = tpu.memref_slice %arg4[%add3A, %dma_wait3A_52, %dma_wait3A_53] : memref<32x80x125xi32, #tpu.memory_space<hbm>> -> memref<1x80x125xi32, #tpu.memory_space<hbm>>
      %dma_wait3A_55 = tpu.memref_squeeze %dma_wait3A_54 : memref<1x80x125xi32, #tpu.memory_space<hbm>> -> memref<80x125xi32, #tpu.memory_space<hbm>>
      tpu.wait_dma2 semaphore(%run_scoped3A : memref<!tpu.dma_semaphore, #tpu.memory_space<semaphore_mem>>) src(%dma_wait3A_55 : memref<80x125xi32, #tpu.memory_space<hbm>>) dst(%arg7 : memref<80x125xi32, #tpu.memory_space<vmem>>)
      tpu.yield
    }) : () -> ()
    %barrier3A = arith.constant 0 : index
    tpu.barrier barrier_id(%barrier3A)
    %scan3A_31 = arith.constant 0 : i32
    %scan3A_32 = arith.constant 0 : i32
    %scan3A_33 = arith.constant 80 : i32
    %scan3A_34 = arith.addi %scan3A_32, %scan3A_33 : i32
    %scan3A_35 = arith.constant 1 : i32
    scf.for %scan3A_42 = %scan3A_32 to %scan3A_34 step %scan3A_35  : i32 {
      %dma_start3A = arith.constant 0 : i32
      %dma_start3A_43 = tpu.memref_slice %arg6[%scan3A_42, %dma_start3A] : memref<80x125xi32, #tpu.memory_space<vmem>> -> memref<1x125xi32, #tpu.memory_space<vmem>>
      %dma_start3A_44 = tpu.memref_squeeze %dma_start3A_43 : memref<1x125xi32, #tpu.memory_space<vmem>> -> memref<125xi32, #tpu.memory_space<vmem>>
      %dma_start3A_45 = arith.constant 0 : i32
      %dma_start3A_46 = arith.constant 0 : i32
      %dma_start3A_47 = tpu.memref_slice %arg2[%dma_start3A_45, %dma_start3A_46] : memref<10000x128xf32, #tpu.memory_space<hbm>> -> memref<10000x128xf32, #tpu.memory_space<hbm>>
      tpu.enqueue_indirect_dma source(%dma_start3A_47 : memref<10000x128xf32, #tpu.memory_space<hbm>>) target(%arg8 : memref<125x128xf32, #tpu.memory_space<vmem>>) offsets(%dma_start3A_44 : memref<125xi32, #tpu.memory_space<vmem>>) semaphore(%arg10 : memref<!tpu.dma_semaphore, #tpu.memory_space<semaphore_mem>>)
      %dma_wait3A = arith.constant 0 : i32
      %dma_wait3A_48 = tpu.memref_slice %arg6[%scan3A_42, %dma_wait3A] : memref<80x125xi32, #tpu.memory_space<vmem>> -> memref<1x125xi32, #tpu.memory_space<vmem>>
      %dma_wait3A_49 = tpu.memref_squeeze %dma_wait3A_48 : memref<1x125xi32, #tpu.memory_space<vmem>> -> memref<125xi32, #tpu.memory_space<vmem>>
      %dma_wait3A_50 = arith.constant 0 : i32
      %dma_wait3A_51 = arith.constant 0 : i32
      %dma_wait3A_52 = tpu.memref_slice %arg2[%dma_wait3A_50, %dma_wait3A_51] : memref<10000x128xf32, #tpu.memory_space<hbm>> -> memref<10000x128xf32, #tpu.memory_space<hbm>>
      tpu.wait_indirect_dma semaphore(%arg10 : memref<!tpu.dma_semaphore, #tpu.memory_space<semaphore_mem>>) src(%dma_wait3A_52 : memref<10000x128xf32, #tpu.memory_space<hbm>>) dst(%arg8 : memref<125x128xf32, #tpu.memory_space<vmem>>)
      "tpu.region"() ({
        %run_scoped3A = tpu.sem_alloc : memref<!tpu.dma_semaphore, #tpu.memory_space<semaphore_mem>>
        %dma_start3A_53 = arith.constant 0 : i32
        %dma_start3A_54 = tpu.memref_slice %arg7[%scan3A_42, %dma_start3A_53] : memref<80x125xi32, #tpu.memory_space<vmem>> -> memref<1x125xi32, #tpu.memory_space<vmem>>
        %dma_start3A_55 = tpu.memref_squeeze %dma_start3A_54 : memref<1x125xi32, #tpu.memory_space<vmem>> -> memref<125xi32, #tpu.memory_space<vmem>>
        %dma_start3A_56 = arith.constant 0 : i32
        %dma_start3A_57 = arith.constant 0 : i32
        %dma_start3A_58 = tpu.memref_slice %arg9[%dma_start3A_56, %dma_start3A_57] : memref<10240x128xf32, #tpu.memory_space<vmem_shared>> -> memref<10240x128xf32, #tpu.memory_space<vmem_shared>>
        tpu.enqueue_indirect_dma source(%arg8 : memref<125x128xf32, #tpu.memory_space<vmem>>) target(%dma_start3A_58 : memref<10240x128xf32, #tpu.memory_space<vmem_shared>>) offsets(%dma_start3A_55 : memref<125xi32, #tpu.memory_space<vmem>>) semaphore(%run_scoped3A : memref<!tpu.dma_semaphore, #tpu.memory_space<semaphore_mem>>) {add = true}
        %dma_wait3A_59 = arith.constant 0 : i32
        %dma_wait3A_60 = tpu.memref_slice %arg7[%scan3A_42, %dma_wait3A_59] : memref<80x125xi32, #tpu.memory_space<vmem>> -> memref<1x125xi32, #tpu.memory_space<vmem>>
        %dma_wait3A_61 = tpu.memref_squeeze %dma_wait3A_60 : memref<1x125xi32, #tpu.memory_space<vmem>> -> memref<125xi32, #tpu.memory_space<vmem>>
        %dma_wait3A_62 = arith.constant 0 : i32
        %dma_wait3A_63 = arith.constant 0 : i32
        %dma_wait3A_64 = tpu.memref_slice %arg9[%dma_wait3A_62, %dma_wait3A_63] : memref<10240x128xf32, #tpu.memory_space<vmem_shared>> -> memref<10240x128xf32, #tpu.memory_space<vmem_shared>>
        tpu.wait_indirect_dma semaphore(%run_scoped3A : memref<!tpu.dma_semaphore, #tpu.memory_space<semaphore_mem>>) src(%arg8 : memref<125x128xf32, #tpu.memory_space<vmem>>) dst(%dma_wait3A_64 : memref<10240x128xf32, #tpu.memory_space<vmem_shared>>)
        tpu.yield
      }) : () -> ()
    }
    %scan3A_36 = arith.constant 80 : i32
    %barrier3A_37 = arith.constant 0 : index
    tpu.barrier barrier_id(%barrier3A_37)
    %mul3A_38 = arith.constant 640 : i32
    %mul3A_39 = arith.muli %arg1, %mul3A_38 : i32
    %mul3A_40 = arith.constant 640 : i32
    %mul3A_41 = arith.muli %arg1, %mul3A_40 : i32
    "tpu.region"() ({
      %run_scoped3A = tpu.sem_alloc : memref<!tpu.dma_semaphore, #tpu.memory_space<semaphore_mem>>
      %dma_start3A = arith.constant 0 : i32
      %dma_start3A_42 = arith.constant 0 : i32
      %dma_start3A_43 = tpu.memref_slice %arg5[%arg0, %dma_start3A, %dma_start3A_42] : memref<2x10240x128xf32, #tpu.memory_space<hbm>> -> memref<1x10240x128xf32, #tpu.memory_space<hbm>>
      %dma_start3A_44 = tpu.memref_squeeze %dma_start3A_43 : memref<1x10240x128xf32, #tpu.memory_space<hbm>> -> memref<10240x128xf32, #tpu.memory_space<hbm>>
      %dma_start3A_45 = arith.constant 0 : i32
      %dma_start3A_46 = tpu.memref_slice %dma_start3A_44[%mul3A_41, %dma_start3A_45] : memref<10240x128xf32, #tpu.memory_space<hbm>> -> memref<640x128xf32, #tpu.memory_space<hbm>>
      %dma_start3A_47 = arith.constant 0 : i32
      %dma_start3A_48 = tpu.memref_slice %arg9[%mul3A_39, %dma_start3A_47] : memref<10240x128xf32, #tpu.memory_space<vmem_shared>> -> memref<640x128xf32, #tpu.memory_space<vmem_shared>>
      tpu.enqueue_dma source(%dma_start3A_48 : memref<640x128xf32, #tpu.memory_space<vmem_shared>>) target(%dma_start3A_46 : memref<640x128xf32, #tpu.memory_space<hbm>>) target_semaphore(%run_scoped3A : memref<!tpu.dma_semaphore, #tpu.memory_space<semaphore_mem>>)
      %dma_wait3A = arith.constant 0 : i32
      %dma_wait3A_49 = arith.constant 0 : i32
      %dma_wait3A_50 = tpu.memref_slice %arg5[%arg0, %dma_wait3A, %dma_wait3A_49] : memref<2x10240x128xf32, #tpu.memory_space<hbm>> -> memref<1x10240x128xf32, #tpu.memory_space<hbm>>
      %dma_wait3A_51 = tpu.memref_squeeze %dma_wait3A_50 : memref<1x10240x128xf32, #tpu.memory_space<hbm>> -> memref<10240x128xf32, #tpu.memory_space<hbm>>
      %dma_wait3A_52 = arith.constant 0 : i32
      %dma_wait3A_53 = tpu.memref_slice %dma_wait3A_51[%mul3A_41, %dma_wait3A_52] : memref<10240x128xf32, #tpu.memory_space<hbm>> -> memref<640x128xf32, #tpu.memory_space<hbm>>
      %dma_wait3A_54 = arith.constant 0 : i32
      %dma_wait3A_55 = tpu.memref_slice %arg9[%mul3A_39, %dma_wait3A_54] : memref<10240x128xf32, #tpu.memory_space<vmem_shared>> -> memref<640x128xf32, #tpu.memory_space<vmem_shared>>
      tpu.wait_dma2 semaphore(%run_scoped3A : memref<!tpu.dma_semaphore, #tpu.memory_space<semaphore_mem>>) src(%dma_wait3A_55 : memref<640x128xf32, #tpu.memory_space<vmem_shared>>) dst(%dma_wait3A_53 : memref<640x128xf32, #tpu.memory_space<hbm>>)
      tpu.yield
    }) : () -> ()
    return
  }
}

#map = affine_map<(d0, d1) -> (0, 0, 0)>
module attributes {stable_mosaic.version = 14 : i64} {
  func.func @_deg_kernel(%arg0: i32, %arg1: i32, %arg2: memref<32x80x125xi32, #tpu.memory_space<hbm>>, %arg3: memref<2x10240x128xf32, #tpu.memory_space<hbm>>, %arg4: memref<80x125xi32, #tpu.memory_space<vmem>>, %arg5: memref<125x128xf32, #tpu.memory_space<vmem>>, %arg6: memref<10240x128xf32, #tpu.memory_space<vmem_shared>>) attributes {dimension_semantics = [#tpu.dimension_semantics<core_parallel>, #tpu.dimension_semantics<subcore_parallel>], iteration_bounds = array<i64: 2, 16>, scalar_prefetch = 0 : i64, scratch_operands = 3 : i64, tpu.core_type = #tpu.core_type<sc_vector_subcore>, window_params = [{transform_indices = #map}, {transform_indices = #map}]} {
    %mul3A = arith.constant 16 : i32
    %mul3A_0 = arith.muli %arg0, %mul3A : i32
    %add3A = arith.addi %mul3A_0, %arg1 : i32
    %broadcast_in_dim3A = arith.constant 0.000000e+00 : f32
    %broadcast_in_dim3A_1 = vector.broadcast %broadcast_in_dim3A : f32 to vector<16xf32>
    %scan3A = arith.constant 0 : i32
    %scan3A_2 = arith.constant 0 : i32
    %scan3A_3 = arith.constant 125 : i32
    %scan3A_4 = arith.addi %scan3A_2, %scan3A_3 : i32
    %scan3A_5 = arith.constant 1 : i32
    scf.for %scan3A_50 = %scan3A_2 to %scan3A_4 step %scan3A_5  : i32 {
      %swap3A = arith.index_cast %scan3A_50 : i32 to index
      %swap3A_51 = arith.constant 0 : index
      %swap3A_52 = tpu.vector_load %arg5[%swap3A, %swap3A_51] {strides = array<i32>} : memref<125x128xf32, #tpu.memory_space<vmem>>, vector<1x16xf32>,
      %swap3A_53 = vector.shape_cast %swap3A_52 : vector<1x16xf32> to vector<16xf32>
      %swap3A_54 = vector.shape_cast %broadcast_in_dim3A_1 : vector<16xf32> to vector<1x16xf32>
      tpu.vector_store %arg5[%swap3A, %swap3A_51], %swap3A_54 {strides = array<i32>} : memref<125x128xf32, #tpu.memory_space<vmem>>, vector<1x16xf32>,
      %swap3A_55 = arith.index_cast %scan3A_50 : i32 to index
      %swap3A_56 = arith.constant 16 : index
      %swap3A_57 = tpu.vector_load %arg5[%swap3A_55, %swap3A_56] {strides = array<i32>} : memref<125x128xf32, #tpu.memory_space<vmem>>, vector<1x16xf32>,
      %swap3A_58 = vector.shape_cast %swap3A_57 : vector<1x16xf32> to vector<16xf32>
      %swap3A_59 = vector.shape_cast %broadcast_in_dim3A_1 : vector<16xf32> to vector<1x16xf32>
      tpu.vector_store %arg5[%swap3A_55, %swap3A_56], %swap3A_59 {strides = array<i32>} : memref<125x128xf32, #tpu.memory_space<vmem>>, vector<1x16xf32>,
      %swap3A_60 = arith.index_cast %scan3A_50 : i32 to index
      %swap3A_61 = arith.constant 32 : index
      %swap3A_62 = tpu.vector_load %arg5[%swap3A_60, %swap3A_61] {strides = array<i32>} : memref<125x128xf32, #tpu.memory_space<vmem>>, vector<1x16xf32>,
      %swap3A_63 = vector.shape_cast %swap3A_62 : vector<1x16xf32> to vector<16xf32>
      %swap3A_64 = vector.shape_cast %broadcast_in_dim3A_1 : vector<16xf32> to vector<1x16xf32>
      tpu.vector_store %arg5[%swap3A_60, %swap3A_61], %swap3A_64 {strides = array<i32>} : memref<125x128xf32, #tpu.memory_space<vmem>>, vector<1x16xf32>,
      %swap3A_65 = arith.index_cast %scan3A_50 : i32 to index
      %swap3A_66 = arith.constant 48 : index
      %swap3A_67 = tpu.vector_load %arg5[%swap3A_65, %swap3A_66] {strides = array<i32>} : memref<125x128xf32, #tpu.memory_space<vmem>>, vector<1x16xf32>,
      %swap3A_68 = vector.shape_cast %swap3A_67 : vector<1x16xf32> to vector<16xf32>
      %swap3A_69 = vector.shape_cast %broadcast_in_dim3A_1 : vector<16xf32> to vector<1x16xf32>
      tpu.vector_store %arg5[%swap3A_65, %swap3A_66], %swap3A_69 {strides = array<i32>} : memref<125x128xf32, #tpu.memory_space<vmem>>, vector<1x16xf32>,
      %swap3A_70 = arith.index_cast %scan3A_50 : i32 to index
      %swap3A_71 = arith.constant 64 : index
      %swap3A_72 = tpu.vector_load %arg5[%swap3A_70, %swap3A_71] {strides = array<i32>} : memref<125x128xf32, #tpu.memory_space<vmem>>, vector<1x16xf32>,
      %swap3A_73 = vector.shape_cast %swap3A_72 : vector<1x16xf32> to vector<16xf32>
      %swap3A_74 = vector.shape_cast %broadcast_in_dim3A_1 : vector<16xf32> to vector<1x16xf32>
      tpu.vector_store %arg5[%swap3A_70, %swap3A_71], %swap3A_74 {strides = array<i32>} : memref<125x128xf32, #tpu.memory_space<vmem>>, vector<1x16xf32>,
      %swap3A_75 = arith.index_cast %scan3A_50 : i32 to index
      %swap3A_76 = arith.constant 80 : index
      %swap3A_77 = tpu.vector_load %arg5[%swap3A_75, %swap3A_76] {strides = array<i32>} : memref<125x128xf32, #tpu.memory_space<vmem>>, vector<1x16xf32>,
      %swap3A_78 = vector.shape_cast %swap3A_77 : vector<1x16xf32> to vector<16xf32>
      %swap3A_79 = vector.shape_cast %broadcast_in_dim3A_1 : vector<16xf32> to vector<1x16xf32>
      tpu.vector_store %arg5[%swap3A_75, %swap3A_76], %swap3A_79 {strides = array<i32>} : memref<125x128xf32, #tpu.memory_space<vmem>>, vector<1x16xf32>,
      %swap3A_80 = arith.index_cast %scan3A_50 : i32 to index
      %swap3A_81 = arith.constant 96 : index
      %swap3A_82 = tpu.vector_load %arg5[%swap3A_80, %swap3A_81] {strides = array<i32>} : memref<125x128xf32, #tpu.memory_space<vmem>>, vector<1x16xf32>,
      %swap3A_83 = vector.shape_cast %swap3A_82 : vector<1x16xf32> to vector<16xf32>
      %swap3A_84 = vector.shape_cast %broadcast_in_dim3A_1 : vector<16xf32> to vector<1x16xf32>
      tpu.vector_store %arg5[%swap3A_80, %swap3A_81], %swap3A_84 {strides = array<i32>} : memref<125x128xf32, #tpu.memory_space<vmem>>, vector<1x16xf32>,
      %swap3A_85 = arith.index_cast %scan3A_50 : i32 to index
      %swap3A_86 = arith.constant 112 : index
      %swap3A_87 = tpu.vector_load %arg5[%swap3A_85, %swap3A_86] {strides = array<i32>} : memref<125x128xf32, #tpu.memory_space<vmem>>, vector<1x16xf32>,
      %swap3A_88 = vector.shape_cast %swap3A_87 : vector<1x16xf32> to vector<16xf32>
      %swap3A_89 = vector.shape_cast %broadcast_in_dim3A_1 : vector<16xf32> to vector<1x16xf32>
      tpu.vector_store %arg5[%swap3A_85, %swap3A_86], %swap3A_89 {strides = array<i32>} : memref<125x128xf32, #tpu.memory_space<vmem>>, vector<1x16xf32>,
    }
    %scan3A_6 = arith.constant 125 : i32
    %mul3A_7 = arith.constant 640 : i32
    %mul3A_8 = arith.muli %arg1, %mul3A_7 : i32
    %add3A_9 = arith.constant 0 : i32
    %add3A_10 = arith.addi %mul3A_8, %add3A_9 : i32
    "tpu.region"() ({
      %run_scoped3A = tpu.sem_alloc : memref<!tpu.dma_semaphore, #tpu.memory_space<semaphore_mem>>
      %dma_start3A = arith.constant 0 : i32
      %dma_start3A_50 = arith.constant 0 : i32
      %dma_start3A_51 = tpu.memref_slice %arg5[%dma_start3A, %dma_start3A_50] : memref<125x128xf32, #tpu.memory_space<vmem>> -> memref<120x128xf32, #tpu.memory_space<vmem>>
      %dma_start3A_52 = arith.constant 0 : i32
      %dma_start3A_53 = tpu.memref_slice %arg6[%add3A_10, %dma_start3A_52] : memref<10240x128xf32, #tpu.memory_space<vmem_shared>> -> memref<120x128xf32, #tpu.memory_space<vmem_shared>>
      %dma_start3A_54 = arith.constant 0 : i32
      %dma_start3A_55 = tpu.memref_slice %arg6[%add3A_10, %dma_start3A_54] : memref<10240x128xf32, #tpu.memory_space<vmem_shared>> -> memref<120x128xf32, #tpu.memory_space<vmem_shared>>
      %dma_start3A_56 = arith.constant 0 : i32
      %dma_start3A_57 = arith.constant 0 : i32
      %dma_start3A_58 = tpu.memref_slice %arg5[%dma_start3A_56, %dma_start3A_57] : memref<125x128xf32, #tpu.memory_space<vmem>> -> memref<120x128xf32, #tpu.memory_space<vmem>>
      tpu.enqueue_dma source(%dma_start3A_58 : memref<120x128xf32, #tpu.memory_space<vmem>>) target(%dma_start3A_55 : memref<120x128xf32, #tpu.memory_space<vmem_shared>>) target_semaphore(%run_scoped3A : memref<!tpu.dma_semaphore, #tpu.memory_space<semaphore_mem>>)
      %dma_wait3A = arith.constant 0 : i32
      %dma_wait3A_59 = arith.constant 0 : i32
      %dma_wait3A_60 = tpu.memref_slice %arg5[%dma_wait3A, %dma_wait3A_59] : memref<125x128xf32, #tpu.memory_space<vmem>> -> memref<120x128xf32, #tpu.memory_space<vmem>>
      %dma_wait3A_61 = arith.constant 0 : i32
      %dma_wait3A_62 = tpu.memref_slice %arg6[%add3A_10, %dma_wait3A_61] : memref<10240x128xf32, #tpu.memory_space<vmem_shared>> -> memref<120x128xf32, #tpu.memory_space<vmem_shared>>
      %dma_wait3A_63 = arith.constant 0 : i32
      %dma_wait3A_64 = tpu.memref_slice %arg6[%add3A_10, %dma_wait3A_63] : memref<10240x128xf32, #tpu.memory_space<vmem_shared>> -> memref<120x128xf32, #tpu.memory_space<vmem_shared>>
      %dma_wait3A_65 = arith.constant 0 : i32
      %dma_wait3A_66 = arith.constant 0 : i32
      %dma_wait3A_67 = tpu.memref_slice %arg5[%dma_wait3A_65, %dma_wait3A_66] : memref<125x128xf32, #tpu.memory_space<vmem>> -> memref<120x128xf32, #tpu.memory_space<vmem>>
      tpu.wait_dma2 semaphore(%run_scoped3A : memref<!tpu.dma_semaphore, #tpu.memory_space<semaphore_mem>>) src(%dma_wait3A_67 : memref<120x128xf32, #tpu.memory_space<vmem>>) dst(%dma_wait3A_64 : memref<120x128xf32, #tpu.memory_space<vmem_shared>>)
      tpu.yield
    }) : () -> ()
    %mul3A_11 = arith.constant 640 : i32
    %mul3A_12 = arith.muli %arg1, %mul3A_11 : i32
    %add3A_13 = arith.constant 120 : i32
    %add3A_14 = arith.addi %mul3A_12, %add3A_13 : i32
    "tpu.region"() ({
      %run_scoped3A = tpu.sem_alloc : memref<!tpu.dma_semaphore, #tpu.memory_space<semaphore_mem>>
      %dma_start3A = arith.constant 0 : i32
      %dma_start3A_50 = arith.constant 0 : i32
      %dma_start3A_51 = tpu.memref_slice %arg5[%dma_start3A, %dma_start3A_50] : memref<125x128xf32, #tpu.memory_space<vmem>> -> memref<120x128xf32, #tpu.memory_space<vmem>>
      %dma_start3A_52 = arith.constant 0 : i32
      %dma_start3A_53 = tpu.memref_slice %arg6[%add3A_14, %dma_start3A_52] : memref<10240x128xf32, #tpu.memory_space<vmem_shared>> -> memref<120x128xf32, #tpu.memory_space<vmem_shared>>
      %dma_start3A_54 = arith.constant 0 : i32
      %dma_start3A_55 = tpu.memref_slice %arg6[%add3A_14, %dma_start3A_54] : memref<10240x128xf32, #tpu.memory_space<vmem_shared>> -> memref<120x128xf32, #tpu.memory_space<vmem_shared>>
      %dma_start3A_56 = arith.constant 0 : i32
      %dma_start3A_57 = arith.constant 0 : i32
      %dma_start3A_58 = tpu.memref_slice %arg5[%dma_start3A_56, %dma_start3A_57] : memref<125x128xf32, #tpu.memory_space<vmem>> -> memref<120x128xf32, #tpu.memory_space<vmem>>
      tpu.enqueue_dma source(%dma_start3A_58 : memref<120x128xf32, #tpu.memory_space<vmem>>) target(%dma_start3A_55 : memref<120x128xf32, #tpu.memory_space<vmem_shared>>) target_semaphore(%run_scoped3A : memref<!tpu.dma_semaphore, #tpu.memory_space<semaphore_mem>>)
      %dma_wait3A = arith.constant 0 : i32
      %dma_wait3A_59 = arith.constant 0 : i32
      %dma_wait3A_60 = tpu.memref_slice %arg5[%dma_wait3A, %dma_wait3A_59] : memref<125x128xf32, #tpu.memory_space<vmem>> -> memref<120x128xf32, #tpu.memory_space<vmem>>
      %dma_wait3A_61 = arith.constant 0 : i32
      %dma_wait3A_62 = tpu.memref_slice %arg6[%add3A_14, %dma_wait3A_61] : memref<10240x128xf32, #tpu.memory_space<vmem_shared>> -> memref<120x128xf32, #tpu.memory_space<vmem_shared>>
      %dma_wait3A_63 = arith.constant 0 : i32
      %dma_wait3A_64 = tpu.memref_slice %arg6[%add3A_14, %dma_wait3A_63] : memref<10240x128xf32, #tpu.memory_space<vmem_shared>> -> memref<120x128xf32, #tpu.memory_space<vmem_shared>>
      %dma_wait3A_65 = arith.constant 0 : i32
      %dma_wait3A_66 = arith.constant 0 : i32
      %dma_wait3A_67 = tpu.memref_slice %arg5[%dma_wait3A_65, %dma_wait3A_66] : memref<125x128xf32, #tpu.memory_space<vmem>> -> memref<120x128xf32, #tpu.memory_space<vmem>>
      tpu.wait_dma2 semaphore(%run_scoped3A : memref<!tpu.dma_semaphore, #tpu.memory_space<semaphore_mem>>) src(%dma_wait3A_67 : memref<120x128xf32, #tpu.memory_space<vmem>>) dst(%dma_wait3A_64 : memref<120x128xf32, #tpu.memory_space<vmem_shared>>)
      tpu.yield
    }) : () -> ()
    %mul3A_15 = arith.constant 640 : i32
    %mul3A_16 = arith.muli %arg1, %mul3A_15 : i32
    %add3A_17 = arith.constant 240 : i32
    %add3A_18 = arith.addi %mul3A_16, %add3A_17 : i32
    "tpu.region"() ({
      %run_scoped3A = tpu.sem_alloc : memref<!tpu.dma_semaphore, #tpu.memory_space<semaphore_mem>>
      %dma_start3A = arith.constant 0 : i32
      %dma_start3A_50 = arith.constant 0 : i32
      %dma_start3A_51 = tpu.memref_slice %arg5[%dma_start3A, %dma_start3A_50] : memref<125x128xf32, #tpu.memory_space<vmem>> -> memref<120x128xf32, #tpu.memory_space<vmem>>
      %dma_start3A_52 = arith.constant 0 : i32
      %dma_start3A_53 = tpu.memref_slice %arg6[%add3A_18, %dma_start3A_52] : memref<10240x128xf32, #tpu.memory_space<vmem_shared>> -> memref<120x128xf32, #tpu.memory_space<vmem_shared>>
      %dma_start3A_54 = arith.constant 0 : i32
      %dma_start3A_55 = tpu.memref_slice %arg6[%add3A_18, %dma_start3A_54] : memref<10240x128xf32, #tpu.memory_space<vmem_shared>> -> memref<120x128xf32, #tpu.memory_space<vmem_shared>>
      %dma_start3A_56 = arith.constant 0 : i32
      %dma_start3A_57 = arith.constant 0 : i32
      %dma_start3A_58 = tpu.memref_slice %arg5[%dma_start3A_56, %dma_start3A_57] : memref<125x128xf32, #tpu.memory_space<vmem>> -> memref<120x128xf32, #tpu.memory_space<vmem>>
      tpu.enqueue_dma source(%dma_start3A_58 : memref<120x128xf32, #tpu.memory_space<vmem>>) target(%dma_start3A_55 : memref<120x128xf32, #tpu.memory_space<vmem_shared>>) target_semaphore(%run_scoped3A : memref<!tpu.dma_semaphore, #tpu.memory_space<semaphore_mem>>)
      %dma_wait3A = arith.constant 0 : i32
      %dma_wait3A_59 = arith.constant 0 : i32
      %dma_wait3A_60 = tpu.memref_slice %arg5[%dma_wait3A, %dma_wait3A_59] : memref<125x128xf32, #tpu.memory_space<vmem>> -> memref<120x128xf32, #tpu.memory_space<vmem>>
      %dma_wait3A_61 = arith.constant 0 : i32
      %dma_wait3A_62 = tpu.memref_slice %arg6[%add3A_18, %dma_wait3A_61] : memref<10240x128xf32, #tpu.memory_space<vmem_shared>> -> memref<120x128xf32, #tpu.memory_space<vmem_shared>>
      %dma_wait3A_63 = arith.constant 0 : i32
      %dma_wait3A_64 = tpu.memref_slice %arg6[%add3A_18, %dma_wait3A_63] : memref<10240x128xf32, #tpu.memory_space<vmem_shared>> -> memref<120x128xf32, #tpu.memory_space<vmem_shared>>
      %dma_wait3A_65 = arith.constant 0 : i32
      %dma_wait3A_66 = arith.constant 0 : i32
      %dma_wait3A_67 = tpu.memref_slice %arg5[%dma_wait3A_65, %dma_wait3A_66] : memref<125x128xf32, #tpu.memory_space<vmem>> -> memref<120x128xf32, #tpu.memory_space<vmem>>
      tpu.wait_dma2 semaphore(%run_scoped3A : memref<!tpu.dma_semaphore, #tpu.memory_space<semaphore_mem>>) src(%dma_wait3A_67 : memref<120x128xf32, #tpu.memory_space<vmem>>) dst(%dma_wait3A_64 : memref<120x128xf32, #tpu.memory_space<vmem_shared>>)
      tpu.yield
    }) : () -> ()
    %mul3A_19 = arith.constant 640 : i32
    %mul3A_20 = arith.muli %arg1, %mul3A_19 : i32
    %add3A_21 = arith.constant 360 : i32
    %add3A_22 = arith.addi %mul3A_20, %add3A_21 : i32
    "tpu.region"() ({
      %run_scoped3A = tpu.sem_alloc : memref<!tpu.dma_semaphore, #tpu.memory_space<semaphore_mem>>
      %dma_start3A = arith.constant 0 : i32
      %dma_start3A_50 = arith.constant 0 : i32
      %dma_start3A_51 = tpu.memref_slice %arg5[%dma_start3A, %dma_start3A_50] : memref<125x128xf32, #tpu.memory_space<vmem>> -> memref<120x128xf32, #tpu.memory_space<vmem>>
      %dma_start3A_52 = arith.constant 0 : i32
      %dma_start3A_53 = tpu.memref_slice %arg6[%add3A_22, %dma_start3A_52] : memref<10240x128xf32, #tpu.memory_space<vmem_shared>> -> memref<120x128xf32, #tpu.memory_space<vmem_shared>>
      %dma_start3A_54 = arith.constant 0 : i32
      %dma_start3A_55 = tpu.memref_slice %arg6[%add3A_22, %dma_start3A_54] : memref<10240x128xf32, #tpu.memory_space<vmem_shared>> -> memref<120x128xf32, #tpu.memory_space<vmem_shared>>
      %dma_start3A_56 = arith.constant 0 : i32
      %dma_start3A_57 = arith.constant 0 : i32
      %dma_start3A_58 = tpu.memref_slice %arg5[%dma_start3A_56, %dma_start3A_57] : memref<125x128xf32, #tpu.memory_space<vmem>> -> memref<120x128xf32, #tpu.memory_space<vmem>>
      tpu.enqueue_dma source(%dma_start3A_58 : memref<120x128xf32, #tpu.memory_space<vmem>>) target(%dma_start3A_55 : memref<120x128xf32, #tpu.memory_space<vmem_shared>>) target_semaphore(%run_scoped3A : memref<!tpu.dma_semaphore, #tpu.memory_space<semaphore_mem>>)
      %dma_wait3A = arith.constant 0 : i32
      %dma_wait3A_59 = arith.constant 0 : i32
      %dma_wait3A_60 = tpu.memref_slice %arg5[%dma_wait3A, %dma_wait3A_59] : memref<125x128xf32, #tpu.memory_space<vmem>> -> memref<120x128xf32, #tpu.memory_space<vmem>>
      %dma_wait3A_61 = arith.constant 0 : i32
      %dma_wait3A_62 = tpu.memref_slice %arg6[%add3A_22, %dma_wait3A_61] : memref<10240x128xf32, #tpu.memory_space<vmem_shared>> -> memref<120x128xf32, #tpu.memory_space<vmem_shared>>
      %dma_wait3A_63 = arith.constant 0 : i32
      %dma_wait3A_64 = tpu.memref_slice %arg6[%add3A_22, %dma_wait3A_63] : memref<10240x128xf32, #tpu.memory_space<vmem_shared>> -> memref<120x128xf32, #tpu.memory_space<vmem_shared>>
      %dma_wait3A_65 = arith.constant 0 : i32
      %dma_wait3A_66 = arith.constant 0 : i32
      %dma_wait3A_67 = tpu.memref_slice %arg5[%dma_wait3A_65, %dma_wait3A_66] : memref<125x128xf32, #tpu.memory_space<vmem>> -> memref<120x128xf32, #tpu.memory_space<vmem>>
      tpu.wait_dma2 semaphore(%run_scoped3A : memref<!tpu.dma_semaphore, #tpu.memory_space<semaphore_mem>>) src(%dma_wait3A_67 : memref<120x128xf32, #tpu.memory_space<vmem>>) dst(%dma_wait3A_64 : memref<120x128xf32, #tpu.memory_space<vmem_shared>>)
      tpu.yield
    }) : () -> ()
    %mul3A_23 = arith.constant 640 : i32
    %mul3A_24 = arith.muli %arg1, %mul3A_23 : i32
    %add3A_25 = arith.constant 480 : i32
    %add3A_26 = arith.addi %mul3A_24, %add3A_25 : i32
    "tpu.region"() ({
      %run_scoped3A = tpu.sem_alloc : memref<!tpu.dma_semaphore, #tpu.memory_space<semaphore_mem>>
      %dma_start3A = arith.constant 0 : i32
      %dma_start3A_50 = arith.constant 0 : i32
      %dma_start3A_51 = tpu.memref_slice %arg5[%dma_start3A, %dma_start3A_50] : memref<125x128xf32, #tpu.memory_space<vmem>> -> memref<120x128xf32, #tpu.memory_space<vmem>>
      %dma_start3A_52 = arith.constant 0 : i32
      %dma_start3A_53 = tpu.memref_slice %arg6[%add3A_26, %dma_start3A_52] : memref<10240x128xf32, #tpu.memory_space<vmem_shared>> -> memref<120x128xf32, #tpu.memory_space<vmem_shared>>
      %dma_start3A_54 = arith.constant 0 : i32
      %dma_start3A_55 = tpu.memref_slice %arg6[%add3A_26, %dma_start3A_54] : memref<10240x128xf32, #tpu.memory_space<vmem_shared>> -> memref<120x128xf32, #tpu.memory_space<vmem_shared>>
      %dma_start3A_56 = arith.constant 0 : i32
      %dma_start3A_57 = arith.constant 0 : i32
      %dma_start3A_58 = tpu.memref_slice %arg5[%dma_start3A_56, %dma_start3A_57] : memref<125x128xf32, #tpu.memory_space<vmem>> -> memref<120x128xf32, #tpu.memory_space<vmem>>
      tpu.enqueue_dma source(%dma_start3A_58 : memref<120x128xf32, #tpu.memory_space<vmem>>) target(%dma_start3A_55 : memref<120x128xf32, #tpu.memory_space<vmem_shared>>) target_semaphore(%run_scoped3A : memref<!tpu.dma_semaphore, #tpu.memory_space<semaphore_mem>>)
      %dma_wait3A = arith.constant 0 : i32
      %dma_wait3A_59 = arith.constant 0 : i32
      %dma_wait3A_60 = tpu.memref_slice %arg5[%dma_wait3A, %dma_wait3A_59] : memref<125x128xf32, #tpu.memory_space<vmem>> -> memref<120x128xf32, #tpu.memory_space<vmem>>
      %dma_wait3A_61 = arith.constant 0 : i32
      %dma_wait3A_62 = tpu.memref_slice %arg6[%add3A_26, %dma_wait3A_61] : memref<10240x128xf32, #tpu.memory_space<vmem_shared>> -> memref<120x128xf32, #tpu.memory_space<vmem_shared>>
      %dma_wait3A_63 = arith.constant 0 : i32
      %dma_wait3A_64 = tpu.memref_slice %arg6[%add3A_26, %dma_wait3A_63] : memref<10240x128xf32, #tpu.memory_space<vmem_shared>> -> memref<120x128xf32, #tpu.memory_space<vmem_shared>>
      %dma_wait3A_65 = arith.constant 0 : i32
      %dma_wait3A_66 = arith.constant 0 : i32
      %dma_wait3A_67 = tpu.memref_slice %arg5[%dma_wait3A_65, %dma_wait3A_66] : memref<125x128xf32, #tpu.memory_space<vmem>> -> memref<120x128xf32, #tpu.memory_space<vmem>>
      tpu.wait_dma2 semaphore(%run_scoped3A : memref<!tpu.dma_semaphore, #tpu.memory_space<semaphore_mem>>) src(%dma_wait3A_67 : memref<120x128xf32, #tpu.memory_space<vmem>>) dst(%dma_wait3A_64 : memref<120x128xf32, #tpu.memory_space<vmem_shared>>)
      tpu.yield
    }) : () -> ()
    %mul3A_27 = arith.constant 640 : i32
    %mul3A_28 = arith.muli %arg1, %mul3A_27 : i32
    %add3A_29 = arith.constant 600 : i32
    %add3A_30 = arith.addi %mul3A_28, %add3A_29 : i32
    "tpu.region"() ({
      %run_scoped3A = tpu.sem_alloc : memref<!tpu.dma_semaphore, #tpu.memory_space<semaphore_mem>>
      %dma_start3A = arith.constant 0 : i32
      %dma_start3A_50 = arith.constant 0 : i32
      %dma_start3A_51 = tpu.memref_slice %arg5[%dma_start3A, %dma_start3A_50] : memref<125x128xf32, #tpu.memory_space<vmem>> -> memref<40x128xf32, #tpu.memory_space<vmem>>
      %dma_start3A_52 = arith.constant 0 : i32
      %dma_start3A_53 = tpu.memref_slice %arg6[%add3A_30, %dma_start3A_52] : memref<10240x128xf32, #tpu.memory_space<vmem_shared>> -> memref<40x128xf32, #tpu.memory_space<vmem_shared>>
      %dma_start3A_54 = arith.constant 0 : i32
      %dma_start3A_55 = tpu.memref_slice %arg6[%add3A_30, %dma_start3A_54] : memref<10240x128xf32, #tpu.memory_space<vmem_shared>> -> memref<40x128xf32, #tpu.memory_space<vmem_shared>>
      %dma_start3A_56 = arith.constant 0 : i32
      %dma_start3A_57 = arith.constant 0 : i32
      %dma_start3A_58 = tpu.memref_slice %arg5[%dma_start3A_56, %dma_start3A_57] : memref<125x128xf32, #tpu.memory_space<vmem>> -> memref<40x128xf32, #tpu.memory_space<vmem>>
      tpu.enqueue_dma source(%dma_start3A_58 : memref<40x128xf32, #tpu.memory_space<vmem>>) target(%dma_start3A_55 : memref<40x128xf32, #tpu.memory_space<vmem_shared>>) target_semaphore(%run_scoped3A : memref<!tpu.dma_semaphore, #tpu.memory_space<semaphore_mem>>)
      %dma_wait3A = arith.constant 0 : i32
      %dma_wait3A_59 = arith.constant 0 : i32
      %dma_wait3A_60 = tpu.memref_slice %arg5[%dma_wait3A, %dma_wait3A_59] : memref<125x128xf32, #tpu.memory_space<vmem>> -> memref<40x128xf32, #tpu.memory_space<vmem>>
      %dma_wait3A_61 = arith.constant 0 : i32
      %dma_wait3A_62 = tpu.memref_slice %arg6[%add3A_30, %dma_wait3A_61] : memref<10240x128xf32, #tpu.memory_space<vmem_shared>> -> memref<40x128xf32, #tpu.memory_space<vmem_shared>>
      %dma_wait3A_63 = arith.constant 0 : i32
      %dma_wait3A_64 = tpu.memref_slice %arg6[%add3A_30, %dma_wait3A_63] : memref<10240x128xf32, #tpu.memory_space<vmem_shared>> -> memref<40x128xf32, #tpu.memory_space<vmem_shared>>
      %dma_wait3A_65 = arith.constant 0 : i32
      %dma_wait3A_66 = arith.constant 0 : i32
      %dma_wait3A_67 = tpu.memref_slice %arg5[%dma_wait3A_65, %dma_wait3A_66] : memref<125x128xf32, #tpu.memory_space<vmem>> -> memref<40x128xf32, #tpu.memory_space<vmem>>
      tpu.wait_dma2 semaphore(%run_scoped3A : memref<!tpu.dma_semaphore, #tpu.memory_space<semaphore_mem>>) src(%dma_wait3A_67 : memref<40x128xf32, #tpu.memory_space<vmem>>) dst(%dma_wait3A_64 : memref<40x128xf32, #tpu.memory_space<vmem_shared>>)
      tpu.yield
    }) : () -> ()
    %broadcast_in_dim3A_31 = arith.constant 1.000000e+00 : f32
    %broadcast_in_dim3A_32 = vector.broadcast %broadcast_in_dim3A_31 : f32 to vector<16xf32>
    %scan3A_33 = arith.constant 0 : i32
    %scan3A_34 = arith.constant 0 : i32
    %scan3A_35 = arith.constant 125 : i32
    %scan3A_36 = arith.addi %scan3A_34, %scan3A_35 : i32
    %scan3A_37 = arith.constant 1 : i32
    scf.for %scan3A_50 = %scan3A_34 to %scan3A_36 step %scan3A_37  : i32 {
      %swap3A = arith.index_cast %scan3A_50 : i32 to index
      %swap3A_51 = arith.constant 0 : index
      %swap3A_52 = tpu.vector_load %arg5[%swap3A, %swap3A_51] {strides = array<i32>} : memref<125x128xf32, #tpu.memory_space<vmem>>, vector<1x16xf32>,
      %swap3A_53 = vector.shape_cast %swap3A_52 : vector<1x16xf32> to vector<16xf32>
      %swap3A_54 = vector.shape_cast %broadcast_in_dim3A_32 : vector<16xf32> to vector<1x16xf32>
      tpu.vector_store %arg5[%swap3A, %swap3A_51], %swap3A_54 {strides = array<i32>} : memref<125x128xf32, #tpu.memory_space<vmem>>, vector<1x16xf32>,
      %swap3A_55 = arith.index_cast %scan3A_50 : i32 to index
      %swap3A_56 = arith.constant 16 : index
      %swap3A_57 = tpu.vector_load %arg5[%swap3A_55, %swap3A_56] {strides = array<i32>} : memref<125x128xf32, #tpu.memory_space<vmem>>, vector<1x16xf32>,
      %swap3A_58 = vector.shape_cast %swap3A_57 : vector<1x16xf32> to vector<16xf32>
      %swap3A_59 = vector.shape_cast %broadcast_in_dim3A_32 : vector<16xf32> to vector<1x16xf32>
      tpu.vector_store %arg5[%swap3A_55, %swap3A_56], %swap3A_59 {strides = array<i32>} : memref<125x128xf32, #tpu.memory_space<vmem>>, vector<1x16xf32>,
      %swap3A_60 = arith.index_cast %scan3A_50 : i32 to index
      %swap3A_61 = arith.constant 32 : index
      %swap3A_62 = tpu.vector_load %arg5[%swap3A_60, %swap3A_61] {strides = array<i32>} : memref<125x128xf32, #tpu.memory_space<vmem>>, vector<1x16xf32>,
      %swap3A_63 = vector.shape_cast %swap3A_62 : vector<1x16xf32> to vector<16xf32>
      %swap3A_64 = vector.shape_cast %broadcast_in_dim3A_32 : vector<16xf32> to vector<1x16xf32>
      tpu.vector_store %arg5[%swap3A_60, %swap3A_61], %swap3A_64 {strides = array<i32>} : memref<125x128xf32, #tpu.memory_space<vmem>>, vector<1x16xf32>,
      %swap3A_65 = arith.index_cast %scan3A_50 : i32 to index
      %swap3A_66 = arith.constant 48 : index
      %swap3A_67 = tpu.vector_load %arg5[%swap3A_65, %swap3A_66] {strides = array<i32>} : memref<125x128xf32, #tpu.memory_space<vmem>>, vector<1x16xf32>,
      %swap3A_68 = vector.shape_cast %swap3A_67 : vector<1x16xf32> to vector<16xf32>
      %swap3A_69 = vector.shape_cast %broadcast_in_dim3A_32 : vector<16xf32> to vector<1x16xf32>
      tpu.vector_store %arg5[%swap3A_65, %swap3A_66], %swap3A_69 {strides = array<i32>} : memref<125x128xf32, #tpu.memory_space<vmem>>, vector<1x16xf32>,
      %swap3A_70 = arith.index_cast %scan3A_50 : i32 to index
      %swap3A_71 = arith.constant 64 : index
      %swap3A_72 = tpu.vector_load %arg5[%swap3A_70, %swap3A_71] {strides = array<i32>} : memref<125x128xf32, #tpu.memory_space<vmem>>, vector<1x16xf32>,
      %swap3A_73 = vector.shape_cast %swap3A_72 : vector<1x16xf32> to vector<16xf32>
      %swap3A_74 = vector.shape_cast %broadcast_in_dim3A_32 : vector<16xf32> to vector<1x16xf32>
      tpu.vector_store %arg5[%swap3A_70, %swap3A_71], %swap3A_74 {strides = array<i32>} : memref<125x128xf32, #tpu.memory_space<vmem>>, vector<1x16xf32>,
      %swap3A_75 = arith.index_cast %scan3A_50 : i32 to index
      %swap3A_76 = arith.constant 80 : index
      %swap3A_77 = tpu.vector_load %arg5[%swap3A_75, %swap3A_76] {strides = array<i32>} : memref<125x128xf32, #tpu.memory_space<vmem>>, vector<1x16xf32>,
      %swap3A_78 = vector.shape_cast %swap3A_77 : vector<1x16xf32> to vector<16xf32>
      %swap3A_79 = vector.shape_cast %broadcast_in_dim3A_32 : vector<16xf32> to vector<1x16xf32>
      tpu.vector_store %arg5[%swap3A_75, %swap3A_76], %swap3A_79 {strides = array<i32>} : memref<125x128xf32, #tpu.memory_space<vmem>>, vector<1x16xf32>,
      %swap3A_80 = arith.index_cast %scan3A_50 : i32 to index
      %swap3A_81 = arith.constant 96 : index
      %swap3A_82 = tpu.vector_load %arg5[%swap3A_80, %swap3A_81] {strides = array<i32>} : memref<125x128xf32, #tpu.memory_space<vmem>>, vector<1x16xf32>,
      %swap3A_83 = vector.shape_cast %swap3A_82 : vector<1x16xf32> to vector<16xf32>
      %swap3A_84 = vector.shape_cast %broadcast_in_dim3A_32 : vector<16xf32> to vector<1x16xf32>
      tpu.vector_store %arg5[%swap3A_80, %swap3A_81], %swap3A_84 {strides = array<i32>} : memref<125x128xf32, #tpu.memory_space<vmem>>, vector<1x16xf32>,
      %swap3A_85 = arith.index_cast %scan3A_50 : i32 to index
      %swap3A_86 = arith.constant 112 : index
      %swap3A_87 = tpu.vector_load %arg5[%swap3A_85, %swap3A_86] {strides = array<i32>} : memref<125x128xf32, #tpu.memory_space<vmem>>, vector<1x16xf32>,
      %swap3A_88 = vector.shape_cast %swap3A_87 : vector<1x16xf32> to vector<16xf32>
      %swap3A_89 = vector.shape_cast %broadcast_in_dim3A_32 : vector<16xf32> to vector<1x16xf32>
      tpu.vector_store %arg5[%swap3A_85, %swap3A_86], %swap3A_89 {strides = array<i32>} : memref<125x128xf32, #tpu.memory_space<vmem>>, vector<1x16xf32>,
    }
    %scan3A_38 = arith.constant 125 : i32
    "tpu.region"() ({
      %run_scoped3A = tpu.sem_alloc : memref<!tpu.dma_semaphore, #tpu.memory_space<semaphore_mem>>
      %dma_start3A = arith.constant 0 : i32
      %dma_start3A_50 = arith.constant 0 : i32
      %dma_start3A_51 = tpu.memref_slice %arg2[%add3A, %dma_start3A, %dma_start3A_50] : memref<32x80x125xi32, #tpu.memory_space<hbm>> -> memref<1x80x125xi32, #tpu.memory_space<hbm>>
      %dma_start3A_52 = tpu.memref_squeeze %dma_start3A_51 : memref<1x80x125xi32, #tpu.memory_space<hbm>> -> memref<80x125xi32, #tpu.memory_space<hbm>>
      %dma_start3A_53 = arith.constant 0 : i32
      %dma_start3A_54 = arith.constant 0 : i32
      %dma_start3A_55 = tpu.memref_slice %arg2[%add3A, %dma_start3A_53, %dma_start3A_54] : memref<32x80x125xi32, #tpu.memory_space<hbm>> -> memref<1x80x125xi32, #tpu.memory_space<hbm>>
      %dma_start3A_56 = tpu.memref_squeeze %dma_start3A_55 : memref<1x80x125xi32, #tpu.memory_space<hbm>> -> memref<80x125xi32, #tpu.memory_space<hbm>>
      tpu.enqueue_dma source(%dma_start3A_56 : memref<80x125xi32, #tpu.memory_space<hbm>>) target(%arg4 : memref<80x125xi32, #tpu.memory_space<vmem>>) target_semaphore(%run_scoped3A : memref<!tpu.dma_semaphore, #tpu.memory_space<semaphore_mem>>)
      %dma_wait3A = arith.constant 0 : i32
      %dma_wait3A_57 = arith.constant 0 : i32
      %dma_wait3A_58 = tpu.memref_slice %arg2[%add3A, %dma_wait3A, %dma_wait3A_57] : memref<32x80x125xi32, #tpu.memory_space<hbm>> -> memref<1x80x125xi32, #tpu.memory_space<hbm>>
      %dma_wait3A_59 = tpu.memref_squeeze %dma_wait3A_58 : memref<1x80x125xi32, #tpu.memory_space<hbm>> -> memref<80x125xi32, #tpu.memory_space<hbm>>
      %dma_wait3A_60 = arith.constant 0 : i32
      %dma_wait3A_61 = arith.constant 0 : i32
      %dma_wait3A_62 = tpu.memref_slice %arg2[%add3A, %dma_wait3A_60, %dma_wait3A_61] : memref<32x80x125xi32, #tpu.memory_space<hbm>> -> memref<1x80x125xi32, #tpu.memory_space<hbm>>
      %dma_wait3A_63 = tpu.memref_squeeze %dma_wait3A_62 : memref<1x80x125xi32, #tpu.memory_space<hbm>> -> memref<80x125xi32, #tpu.memory_space<hbm>>
      tpu.wait_dma2 semaphore(%run_scoped3A : memref<!tpu.dma_semaphore, #tpu.memory_space<semaphore_mem>>) src(%dma_wait3A_63 : memref<80x125xi32, #tpu.memory_space<hbm>>) dst(%arg4 : memref<80x125xi32, #tpu.memory_space<vmem>>)
      tpu.yield
    }) : () -> ()
    %barrier3A = arith.constant 0 : index
    tpu.barrier barrier_id(%barrier3A)
    %scan3A_39 = arith.constant 0 : i32
    %scan3A_40 = arith.constant 0 : i32
    %scan3A_41 = arith.constant 80 : i32
    %scan3A_42 = arith.addi %scan3A_40, %scan3A_41 : i32
    %scan3A_43 = arith.constant 1 : i32
    scf.for %scan3A_50 = %scan3A_40 to %scan3A_42 step %scan3A_43  : i32 {
      "tpu.region"() ({
        %run_scoped3A = tpu.sem_alloc : memref<!tpu.dma_semaphore, #tpu.memory_space<semaphore_mem>>
        %dma_start3A = arith.constant 0 : i32
        %dma_start3A_51 = tpu.memref_slice %arg4[%scan3A_50, %dma_start3A] : memref<80x125xi32, #tpu.memory_space<vmem>> -> memref<1x125xi32, #tpu.memory_space<vmem>>
        %dma_start3A_52 = tpu.memref_squeeze %dma_start3A_51 : memref<1x125xi32, #tpu.memory_space<vmem>> -> memref<125xi32, #tpu.memory_space<vmem>>
        %dma_start3A_53 = arith.constant 0 : i32
        %dma_start3A_54 = arith.constant 0 : i32
        %dma_start3A_55 = tpu.memref_slice %arg6[%dma_start3A_53, %dma_start3A_54] : memref<10240x128xf32, #tpu.memory_space<vmem_shared>> -> memref<10240x128xf32, #tpu.memory_space<vmem_shared>>
        tpu.enqueue_indirect_dma source(%arg5 : memref<125x128xf32, #tpu.memory_space<vmem>>) target(%dma_start3A_55 : memref<10240x128xf32, #tpu.memory_space<vmem_shared>>) offsets(%dma_start3A_52 : memref<125xi32, #tpu.memory_space<vmem>>) semaphore(%run_scoped3A : memref<!tpu.dma_semaphore, #tpu.memory_space<semaphore_mem>>) {add = true}
        %dma_wait3A = arith.constant 0 : i32
        %dma_wait3A_56 = tpu.memref_slice %arg4[%scan3A_50, %dma_wait3A] : memref<80x125xi32, #tpu.memory_space<vmem>> -> memref<1x125xi32, #tpu.memory_space<vmem>>
        %dma_wait3A_57 = tpu.memref_squeeze %dma_wait3A_56 : memref<1x125xi32, #tpu.memory_space<vmem>> -> memref<125xi32, #tpu.memory_space<vmem>>
        %dma_wait3A_58 = arith.constant 0 : i32
        %dma_wait3A_59 = arith.constant 0 : i32
        %dma_wait3A_60 = tpu.memref_slice %arg6[%dma_wait3A_58, %dma_wait3A_59] : memref<10240x128xf32, #tpu.memory_space<vmem_shared>> -> memref<10240x128xf32, #tpu.memory_space<vmem_shared>>
        tpu.wait_indirect_dma semaphore(%run_scoped3A : memref<!tpu.dma_semaphore, #tpu.memory_space<semaphore_mem>>) src(%arg5 : memref<125x128xf32, #tpu.memory_space<vmem>>) dst(%dma_wait3A_60 : memref<10240x128xf32, #tpu.memory_space<vmem_shared>>)
        tpu.yield
      }) : () -> ()
    }
    %scan3A_44 = arith.constant 80 : i32
    %barrier3A_45 = arith.constant 0 : index
    tpu.barrier barrier_id(%barrier3A_45)
    %mul3A_46 = arith.constant 640 : i32
    %mul3A_47 = arith.muli %arg1, %mul3A_46 : i32
    %mul3A_48 = arith.constant 640 : i32
    %mul3A_49 = arith.muli %arg1, %mul3A_48 : i32
    "tpu.region"() ({
      %run_scoped3A = tpu.sem_alloc : memref<!tpu.dma_semaphore, #tpu.memory_space<semaphore_mem>>
      %dma_start3A = arith.constant 0 : i32
      %dma_start3A_50 = arith.constant 0 : i32
      %dma_start3A_51 = tpu.memref_slice %arg3[%arg0, %dma_start3A, %dma_start3A_50] : memref<2x10240x128xf32, #tpu.memory_space<hbm>> -> memref<1x10240x128xf32, #tpu.memory_space<hbm>>
      %dma_start3A_52 = tpu.memref_squeeze %dma_start3A_51 : memref<1x10240x128xf32, #tpu.memory_space<hbm>> -> memref<10240x128xf32, #tpu.memory_space<hbm>>
      %dma_start3A_53 = arith.constant 0 : i32
      %dma_start3A_54 = tpu.memref_slice %dma_start3A_52[%mul3A_49, %dma_start3A_53] : memref<10240x128xf32, #tpu.memory_space<hbm>> -> memref<640x128xf32, #tpu.memory_space<hbm>>
      %dma_start3A_55 = arith.constant 0 : i32
      %dma_start3A_56 = tpu.memref_slice %arg6[%mul3A_47, %dma_start3A_55] : memref<10240x128xf32, #tpu.memory_space<vmem_shared>> -> memref<640x128xf32, #tpu.memory_space<vmem_shared>>
      tpu.enqueue_dma source(%dma_start3A_56 : memref<640x128xf32, #tpu.memory_space<vmem_shared>>) target(%dma_start3A_54 : memref<640x128xf32, #tpu.memory_space<hbm>>) target_semaphore(%run_scoped3A : memref<!tpu.dma_semaphore, #tpu.memory_space<semaphore_mem>>)
      %dma_wait3A = arith.constant 0 : i32
      %dma_wait3A_57 = arith.constant 0 : i32
      %dma_wait3A_58 = tpu.memref_slice %arg3[%arg0, %dma_wait3A, %dma_wait3A_57] : memref<2x10240x128xf32, #tpu.memory_space<hbm>> -> memref<1x10240x128xf32, #tpu.memory_space<hbm>>
      %dma_wait3A_59 = tpu.memref_squeeze %dma_wait3A_58 : memref<1x10240x128xf32, #tpu.memory_space<hbm>> -> memref<10240x128xf32, #tpu.memory_space<hbm>>
      %dma_wait3A_60 = arith.constant 0 : i32
      %dma_wait3A_61 = tpu.memref_slice %dma_wait3A_59[%mul3A_49, %dma_wait3A_60] : memref<10240x128xf32, #tpu.memory_space<hbm>> -> memref<640x128xf32, #tpu.memory_space<hbm>>
      %dma_wait3A_62 = arith.constant 0 : i32
      %dma_wait3A_63 = tpu.memref_slice %arg6[%mul3A_47, %dma_wait3A_62] : memref<10240x128xf32, #tpu.memory_space<vmem_shared>> -> memref<640x128xf32, #tpu.memory_space<vmem_shared>>
      tpu.wait_dma2 semaphore(%run_scoped3A : memref<!tpu.dma_semaphore, #tpu.memory_space<semaphore_mem>>) src(%dma_wait3A_63 : memref<640x128xf32, #tpu.memory_space<vmem_shared>>) dst(%dma_wait3A_61 : memref<640x128xf32, #tpu.memory_space<hbm>>)
      tpu.yield
    }) : () -> ()
    return
  }
}

#map = affine_map<(d0, d1) -> (0, 0)>
#map1 = affine_map<(d0, d1) -> (0, 0, 0)>
module attributes {stable_mosaic.version = 14 : i64} {
  func.func @_agg_kernel(%arg0: i32, %arg1: i32, %arg2: memref<10000x128xf32, #tpu.memory_space<hbm>>, %arg3: memref<32x80x125xi32, #tpu.memory_space<hbm>>, %arg4: memref<32x80x125xi32, #tpu.memory_space<hbm>>, %arg5: memref<2x10240x128xf32, #tpu.memory_space<hbm>>, %arg6: memref<80x125xi32, #tpu.memory_space<vmem>>, %arg7: memref<80x125xi32, #tpu.memory_space<vmem>>, %arg8: memref<125x128xf32, #tpu.memory_space<vmem>>, %arg9: memref<10240x128xf32, #tpu.memory_space<vmem_shared>>, %arg10: memref<!tpu.dma_semaphore, #tpu.memory_space<semaphore_mem>>) attributes {dimension_semantics = [#tpu.dimension_semantics<core_parallel>, #tpu.dimension_semantics<subcore_parallel>], iteration_bounds = array<i64: 2, 16>, scalar_prefetch = 0 : i64, scratch_operands = 5 : i64, tpu.core_type = #tpu.core_type<sc_vector_subcore>, window_params = [{transform_indices = #map}, {transform_indices = #map1}, {transform_indices = #map1}, {transform_indices = #map1}]} {
    %mul3A = arith.constant 16 : i32
    %mul3A_0 = arith.muli %arg0, %mul3A : i32
    %add3A = arith.addi %mul3A_0, %arg1 : i32
    %broadcast_in_dim3A = arith.constant 0.000000e+00 : f32
    %broadcast_in_dim3A_1 = vector.broadcast %broadcast_in_dim3A : f32 to vector<16xf32>
    %scan3A = arith.constant 0 : i32
    %scan3A_2 = arith.constant 0 : i32
    %scan3A_3 = arith.constant 125 : i32
    %scan3A_4 = arith.addi %scan3A_2, %scan3A_3 : i32
    %scan3A_5 = arith.constant 1 : i32
    scf.for %scan3A_42 = %scan3A_2 to %scan3A_4 step %scan3A_5  : i32 {
      %swap3A = arith.index_cast %scan3A_42 : i32 to index
      %swap3A_43 = arith.constant 0 : index
      %swap3A_44 = tpu.vector_load %arg8[%swap3A, %swap3A_43] {strides = array<i32>} : memref<125x128xf32, #tpu.memory_space<vmem>>, vector<1x16xf32>,
      %swap3A_45 = vector.shape_cast %swap3A_44 : vector<1x16xf32> to vector<16xf32>
      %swap3A_46 = vector.shape_cast %broadcast_in_dim3A_1 : vector<16xf32> to vector<1x16xf32>
      tpu.vector_store %arg8[%swap3A, %swap3A_43], %swap3A_46 {strides = array<i32>} : memref<125x128xf32, #tpu.memory_space<vmem>>, vector<1x16xf32>,
      %swap3A_47 = arith.index_cast %scan3A_42 : i32 to index
      %swap3A_48 = arith.constant 16 : index
      %swap3A_49 = tpu.vector_load %arg8[%swap3A_47, %swap3A_48] {strides = array<i32>} : memref<125x128xf32, #tpu.memory_space<vmem>>, vector<1x16xf32>,
      %swap3A_50 = vector.shape_cast %swap3A_49 : vector<1x16xf32> to vector<16xf32>
      %swap3A_51 = vector.shape_cast %broadcast_in_dim3A_1 : vector<16xf32> to vector<1x16xf32>
      tpu.vector_store %arg8[%swap3A_47, %swap3A_48], %swap3A_51 {strides = array<i32>} : memref<125x128xf32, #tpu.memory_space<vmem>>, vector<1x16xf32>,
      %swap3A_52 = arith.index_cast %scan3A_42 : i32 to index
      %swap3A_53 = arith.constant 32 : index
      %swap3A_54 = tpu.vector_load %arg8[%swap3A_52, %swap3A_53] {strides = array<i32>} : memref<125x128xf32, #tpu.memory_space<vmem>>, vector<1x16xf32>,
      %swap3A_55 = vector.shape_cast %swap3A_54 : vector<1x16xf32> to vector<16xf32>
      %swap3A_56 = vector.shape_cast %broadcast_in_dim3A_1 : vector<16xf32> to vector<1x16xf32>
      tpu.vector_store %arg8[%swap3A_52, %swap3A_53], %swap3A_56 {strides = array<i32>} : memref<125x128xf32, #tpu.memory_space<vmem>>, vector<1x16xf32>,
      %swap3A_57 = arith.index_cast %scan3A_42 : i32 to index
      %swap3A_58 = arith.constant 48 : index
      %swap3A_59 = tpu.vector_load %arg8[%swap3A_57, %swap3A_58] {strides = array<i32>} : memref<125x128xf32, #tpu.memory_space<vmem>>, vector<1x16xf32>,
      %swap3A_60 = vector.shape_cast %swap3A_59 : vector<1x16xf32> to vector<16xf32>
      %swap3A_61 = vector.shape_cast %broadcast_in_dim3A_1 : vector<16xf32> to vector<1x16xf32>
      tpu.vector_store %arg8[%swap3A_57, %swap3A_58], %swap3A_61 {strides = array<i32>} : memref<125x128xf32, #tpu.memory_space<vmem>>, vector<1x16xf32>,
      %swap3A_62 = arith.index_cast %scan3A_42 : i32 to index
      %swap3A_63 = arith.constant 64 : index
      %swap3A_64 = tpu.vector_load %arg8[%swap3A_62, %swap3A_63] {strides = array<i32>} : memref<125x128xf32, #tpu.memory_space<vmem>>, vector<1x16xf32>,
      %swap3A_65 = vector.shape_cast %swap3A_64 : vector<1x16xf32> to vector<16xf32>
      %swap3A_66 = vector.shape_cast %broadcast_in_dim3A_1 : vector<16xf32> to vector<1x16xf32>
      tpu.vector_store %arg8[%swap3A_62, %swap3A_63], %swap3A_66 {strides = array<i32>} : memref<125x128xf32, #tpu.memory_space<vmem>>, vector<1x16xf32>,
      %swap3A_67 = arith.index_cast %scan3A_42 : i32 to index
      %swap3A_68 = arith.constant 80 : index
      %swap3A_69 = tpu.vector_load %arg8[%swap3A_67, %swap3A_68] {strides = array<i32>} : memref<125x128xf32, #tpu.memory_space<vmem>>, vector<1x16xf32>,
      %swap3A_70 = vector.shape_cast %swap3A_69 : vector<1x16xf32> to vector<16xf32>
      %swap3A_71 = vector.shape_cast %broadcast_in_dim3A_1 : vector<16xf32> to vector<1x16xf32>
      tpu.vector_store %arg8[%swap3A_67, %swap3A_68], %swap3A_71 {strides = array<i32>} : memref<125x128xf32, #tpu.memory_space<vmem>>, vector<1x16xf32>,
      %swap3A_72 = arith.index_cast %scan3A_42 : i32 to index
      %swap3A_73 = arith.constant 96 : index
      %swap3A_74 = tpu.vector_load %arg8[%swap3A_72, %swap3A_73] {strides = array<i32>} : memref<125x128xf32, #tpu.memory_space<vmem>>, vector<1x16xf32>,
      %swap3A_75 = vector.shape_cast %swap3A_74 : vector<1x16xf32> to vector<16xf32>
      %swap3A_76 = vector.shape_cast %broadcast_in_dim3A_1 : vector<16xf32> to vector<1x16xf32>
      tpu.vector_store %arg8[%swap3A_72, %swap3A_73], %swap3A_76 {strides = array<i32>} : memref<125x128xf32, #tpu.memory_space<vmem>>, vector<1x16xf32>,
      %swap3A_77 = arith.index_cast %scan3A_42 : i32 to index
      %swap3A_78 = arith.constant 112 : index
      %swap3A_79 = tpu.vector_load %arg8[%swap3A_77, %swap3A_78] {strides = array<i32>} : memref<125x128xf32, #tpu.memory_space<vmem>>, vector<1x16xf32>,
      %swap3A_80 = vector.shape_cast %swap3A_79 : vector<1x16xf32> to vector<16xf32>
      %swap3A_81 = vector.shape_cast %broadcast_in_dim3A_1 : vector<16xf32> to vector<1x16xf32>
      tpu.vector_store %arg8[%swap3A_77, %swap3A_78], %swap3A_81 {strides = array<i32>} : memref<125x128xf32, #tpu.memory_space<vmem>>, vector<1x16xf32>,
    }
    %scan3A_6 = arith.constant 125 : i32
    %mul3A_7 = arith.constant 640 : i32
    %mul3A_8 = arith.muli %arg1, %mul3A_7 : i32
    %add3A_9 = arith.constant 0 : i32
    %add3A_10 = arith.addi %mul3A_8, %add3A_9 : i32
    "tpu.region"() ({
      %run_scoped3A = tpu.sem_alloc : memref<!tpu.dma_semaphore, #tpu.memory_space<semaphore_mem>>
      %dma_start3A = arith.constant 0 : i32
      %dma_start3A_42 = arith.constant 0 : i32
      %dma_start3A_43 = tpu.memref_slice %arg8[%dma_start3A, %dma_start3A_42] : memref<125x128xf32, #tpu.memory_space<vmem>> -> memref<120x128xf32, #tpu.memory_space<vmem>>
      %dma_start3A_44 = arith.constant 0 : i32
      %dma_start3A_45 = tpu.memref_slice %arg9[%add3A_10, %dma_start3A_44] : memref<10240x128xf32, #tpu.memory_space<vmem_shared>> -> memref<120x128xf32, #tpu.memory_space<vmem_shared>>
      %dma_start3A_46 = arith.constant 0 : i32
      %dma_start3A_47 = tpu.memref_slice %arg9[%add3A_10, %dma_start3A_46] : memref<10240x128xf32, #tpu.memory_space<vmem_shared>> -> memref<120x128xf32, #tpu.memory_space<vmem_shared>>
      %dma_start3A_48 = arith.constant 0 : i32
      %dma_start3A_49 = arith.constant 0 : i32
      %dma_start3A_50 = tpu.memref_slice %arg8[%dma_start3A_48, %dma_start3A_49] : memref<125x128xf32, #tpu.memory_space<vmem>> -> memref<120x128xf32, #tpu.memory_space<vmem>>
      tpu.enqueue_dma source(%dma_start3A_50 : memref<120x128xf32, #tpu.memory_space<vmem>>) target(%dma_start3A_47 : memref<120x128xf32, #tpu.memory_space<vmem_shared>>) target_semaphore(%run_scoped3A : memref<!tpu.dma_semaphore, #tpu.memory_space<semaphore_mem>>)
      %dma_wait3A = arith.constant 0 : i32
      %dma_wait3A_51 = arith.constant 0 : i32
      %dma_wait3A_52 = tpu.memref_slice %arg8[%dma_wait3A, %dma_wait3A_51] : memref<125x128xf32, #tpu.memory_space<vmem>> -> memref<120x128xf32, #tpu.memory_space<vmem>>
      %dma_wait3A_53 = arith.constant 0 : i32
      %dma_wait3A_54 = tpu.memref_slice %arg9[%add3A_10, %dma_wait3A_53] : memref<10240x128xf32, #tpu.memory_space<vmem_shared>> -> memref<120x128xf32, #tpu.memory_space<vmem_shared>>
      %dma_wait3A_55 = arith.constant 0 : i32
      %dma_wait3A_56 = tpu.memref_slice %arg9[%add3A_10, %dma_wait3A_55] : memref<10240x128xf32, #tpu.memory_space<vmem_shared>> -> memref<120x128xf32, #tpu.memory_space<vmem_shared>>
      %dma_wait3A_57 = arith.constant 0 : i32
      %dma_wait3A_58 = arith.constant 0 : i32
      %dma_wait3A_59 = tpu.memref_slice %arg8[%dma_wait3A_57, %dma_wait3A_58] : memref<125x128xf32, #tpu.memory_space<vmem>> -> memref<120x128xf32, #tpu.memory_space<vmem>>
      tpu.wait_dma2 semaphore(%run_scoped3A : memref<!tpu.dma_semaphore, #tpu.memory_space<semaphore_mem>>) src(%dma_wait3A_59 : memref<120x128xf32, #tpu.memory_space<vmem>>) dst(%dma_wait3A_56 : memref<120x128xf32, #tpu.memory_space<vmem_shared>>)
      tpu.yield
    }) : () -> ()
    %mul3A_11 = arith.constant 640 : i32
    %mul3A_12 = arith.muli %arg1, %mul3A_11 : i32
    %add3A_13 = arith.constant 120 : i32
    %add3A_14 = arith.addi %mul3A_12, %add3A_13 : i32
    "tpu.region"() ({
      %run_scoped3A = tpu.sem_alloc : memref<!tpu.dma_semaphore, #tpu.memory_space<semaphore_mem>>
      %dma_start3A = arith.constant 0 : i32
      %dma_start3A_42 = arith.constant 0 : i32
      %dma_start3A_43 = tpu.memref_slice %arg8[%dma_start3A, %dma_start3A_42] : memref<125x128xf32, #tpu.memory_space<vmem>> -> memref<120x128xf32, #tpu.memory_space<vmem>>
      %dma_start3A_44 = arith.constant 0 : i32
      %dma_start3A_45 = tpu.memref_slice %arg9[%add3A_14, %dma_start3A_44] : memref<10240x128xf32, #tpu.memory_space<vmem_shared>> -> memref<120x128xf32, #tpu.memory_space<vmem_shared>>
      %dma_start3A_46 = arith.constant 0 : i32
      %dma_start3A_47 = tpu.memref_slice %arg9[%add3A_14, %dma_start3A_46] : memref<10240x128xf32, #tpu.memory_space<vmem_shared>> -> memref<120x128xf32, #tpu.memory_space<vmem_shared>>
      %dma_start3A_48 = arith.constant 0 : i32
      %dma_start3A_49 = arith.constant 0 : i32
      %dma_start3A_50 = tpu.memref_slice %arg8[%dma_start3A_48, %dma_start3A_49] : memref<125x128xf32, #tpu.memory_space<vmem>> -> memref<120x128xf32, #tpu.memory_space<vmem>>
      tpu.enqueue_dma source(%dma_start3A_50 : memref<120x128xf32, #tpu.memory_space<vmem>>) target(%dma_start3A_47 : memref<120x128xf32, #tpu.memory_space<vmem_shared>>) target_semaphore(%run_scoped3A : memref<!tpu.dma_semaphore, #tpu.memory_space<semaphore_mem>>)
      %dma_wait3A = arith.constant 0 : i32
      %dma_wait3A_51 = arith.constant 0 : i32
      %dma_wait3A_52 = tpu.memref_slice %arg8[%dma_wait3A, %dma_wait3A_51] : memref<125x128xf32, #tpu.memory_space<vmem>> -> memref<120x128xf32, #tpu.memory_space<vmem>>
      %dma_wait3A_53 = arith.constant 0 : i32
      %dma_wait3A_54 = tpu.memref_slice %arg9[%add3A_14, %dma_wait3A_53] : memref<10240x128xf32, #tpu.memory_space<vmem_shared>> -> memref<120x128xf32, #tpu.memory_space<vmem_shared>>
      %dma_wait3A_55 = arith.constant 0 : i32
      %dma_wait3A_56 = tpu.memref_slice %arg9[%add3A_14, %dma_wait3A_55] : memref<10240x128xf32, #tpu.memory_space<vmem_shared>> -> memref<120x128xf32, #tpu.memory_space<vmem_shared>>
      %dma_wait3A_57 = arith.constant 0 : i32
      %dma_wait3A_58 = arith.constant 0 : i32
      %dma_wait3A_59 = tpu.memref_slice %arg8[%dma_wait3A_57, %dma_wait3A_58] : memref<125x128xf32, #tpu.memory_space<vmem>> -> memref<120x128xf32, #tpu.memory_space<vmem>>
      tpu.wait_dma2 semaphore(%run_scoped3A : memref<!tpu.dma_semaphore, #tpu.memory_space<semaphore_mem>>) src(%dma_wait3A_59 : memref<120x128xf32, #tpu.memory_space<vmem>>) dst(%dma_wait3A_56 : memref<120x128xf32, #tpu.memory_space<vmem_shared>>)
      tpu.yield
    }) : () -> ()
    %mul3A_15 = arith.constant 640 : i32
    %mul3A_16 = arith.muli %arg1, %mul3A_15 : i32
    %add3A_17 = arith.constant 240 : i32
    %add3A_18 = arith.addi %mul3A_16, %add3A_17 : i32
    "tpu.region"() ({
      %run_scoped3A = tpu.sem_alloc : memref<!tpu.dma_semaphore, #tpu.memory_space<semaphore_mem>>
      %dma_start3A = arith.constant 0 : i32
      %dma_start3A_42 = arith.constant 0 : i32
      %dma_start3A_43 = tpu.memref_slice %arg8[%dma_start3A, %dma_start3A_42] : memref<125x128xf32, #tpu.memory_space<vmem>> -> memref<120x128xf32, #tpu.memory_space<vmem>>
      %dma_start3A_44 = arith.constant 0 : i32
      %dma_start3A_45 = tpu.memref_slice %arg9[%add3A_18, %dma_start3A_44] : memref<10240x128xf32, #tpu.memory_space<vmem_shared>> -> memref<120x128xf32, #tpu.memory_space<vmem_shared>>
      %dma_start3A_46 = arith.constant 0 : i32
      %dma_start3A_47 = tpu.memref_slice %arg9[%add3A_18, %dma_start3A_46] : memref<10240x128xf32, #tpu.memory_space<vmem_shared>> -> memref<120x128xf32, #tpu.memory_space<vmem_shared>>
      %dma_start3A_48 = arith.constant 0 : i32
      %dma_start3A_49 = arith.constant 0 : i32
      %dma_start3A_50 = tpu.memref_slice %arg8[%dma_start3A_48, %dma_start3A_49] : memref<125x128xf32, #tpu.memory_space<vmem>> -> memref<120x128xf32, #tpu.memory_space<vmem>>
      tpu.enqueue_dma source(%dma_start3A_50 : memref<120x128xf32, #tpu.memory_space<vmem>>) target(%dma_start3A_47 : memref<120x128xf32, #tpu.memory_space<vmem_shared>>) target_semaphore(%run_scoped3A : memref<!tpu.dma_semaphore, #tpu.memory_space<semaphore_mem>>)
      %dma_wait3A = arith.constant 0 : i32
      %dma_wait3A_51 = arith.constant 0 : i32
      %dma_wait3A_52 = tpu.memref_slice %arg8[%dma_wait3A, %dma_wait3A_51] : memref<125x128xf32, #tpu.memory_space<vmem>> -> memref<120x128xf32, #tpu.memory_space<vmem>>
      %dma_wait3A_53 = arith.constant 0 : i32
      %dma_wait3A_54 = tpu.memref_slice %arg9[%add3A_18, %dma_wait3A_53] : memref<10240x128xf32, #tpu.memory_space<vmem_shared>> -> memref<120x128xf32, #tpu.memory_space<vmem_shared>>
      %dma_wait3A_55 = arith.constant 0 : i32
      %dma_wait3A_56 = tpu.memref_slice %arg9[%add3A_18, %dma_wait3A_55] : memref<10240x128xf32, #tpu.memory_space<vmem_shared>> -> memref<120x128xf32, #tpu.memory_space<vmem_shared>>
      %dma_wait3A_57 = arith.constant 0 : i32
      %dma_wait3A_58 = arith.constant 0 : i32
      %dma_wait3A_59 = tpu.memref_slice %arg8[%dma_wait3A_57, %dma_wait3A_58] : memref<125x128xf32, #tpu.memory_space<vmem>> -> memref<120x128xf32, #tpu.memory_space<vmem>>
      tpu.wait_dma2 semaphore(%run_scoped3A : memref<!tpu.dma_semaphore, #tpu.memory_space<semaphore_mem>>) src(%dma_wait3A_59 : memref<120x128xf32, #tpu.memory_space<vmem>>) dst(%dma_wait3A_56 : memref<120x128xf32, #tpu.memory_space<vmem_shared>>)
      tpu.yield
    }) : () -> ()
    %mul3A_19 = arith.constant 640 : i32
    %mul3A_20 = arith.muli %arg1, %mul3A_19 : i32
    %add3A_21 = arith.constant 360 : i32
    %add3A_22 = arith.addi %mul3A_20, %add3A_21 : i32
    "tpu.region"() ({
      %run_scoped3A = tpu.sem_alloc : memref<!tpu.dma_semaphore, #tpu.memory_space<semaphore_mem>>
      %dma_start3A = arith.constant 0 : i32
      %dma_start3A_42 = arith.constant 0 : i32
      %dma_start3A_43 = tpu.memref_slice %arg8[%dma_start3A, %dma_start3A_42] : memref<125x128xf32, #tpu.memory_space<vmem>> -> memref<120x128xf32, #tpu.memory_space<vmem>>
      %dma_start3A_44 = arith.constant 0 : i32
      %dma_start3A_45 = tpu.memref_slice %arg9[%add3A_22, %dma_start3A_44] : memref<10240x128xf32, #tpu.memory_space<vmem_shared>> -> memref<120x128xf32, #tpu.memory_space<vmem_shared>>
      %dma_start3A_46 = arith.constant 0 : i32
      %dma_start3A_47 = tpu.memref_slice %arg9[%add3A_22, %dma_start3A_46] : memref<10240x128xf32, #tpu.memory_space<vmem_shared>> -> memref<120x128xf32, #tpu.memory_space<vmem_shared>>
      %dma_start3A_48 = arith.constant 0 : i32
      %dma_start3A_49 = arith.constant 0 : i32
      %dma_start3A_50 = tpu.memref_slice %arg8[%dma_start3A_48, %dma_start3A_49] : memref<125x128xf32, #tpu.memory_space<vmem>> -> memref<120x128xf32, #tpu.memory_space<vmem>>
      tpu.enqueue_dma source(%dma_start3A_50 : memref<120x128xf32, #tpu.memory_space<vmem>>) target(%dma_start3A_47 : memref<120x128xf32, #tpu.memory_space<vmem_shared>>) target_semaphore(%run_scoped3A : memref<!tpu.dma_semaphore, #tpu.memory_space<semaphore_mem>>)
      %dma_wait3A = arith.constant 0 : i32
      %dma_wait3A_51 = arith.constant 0 : i32
      %dma_wait3A_52 = tpu.memref_slice %arg8[%dma_wait3A, %dma_wait3A_51] : memref<125x128xf32, #tpu.memory_space<vmem>> -> memref<120x128xf32, #tpu.memory_space<vmem>>
      %dma_wait3A_53 = arith.constant 0 : i32
      %dma_wait3A_54 = tpu.memref_slice %arg9[%add3A_22, %dma_wait3A_53] : memref<10240x128xf32, #tpu.memory_space<vmem_shared>> -> memref<120x128xf32, #tpu.memory_space<vmem_shared>>
      %dma_wait3A_55 = arith.constant 0 : i32
      %dma_wait3A_56 = tpu.memref_slice %arg9[%add3A_22, %dma_wait3A_55] : memref<10240x128xf32, #tpu.memory_space<vmem_shared>> -> memref<120x128xf32, #tpu.memory_space<vmem_shared>>
      %dma_wait3A_57 = arith.constant 0 : i32
      %dma_wait3A_58 = arith.constant 0 : i32
      %dma_wait3A_59 = tpu.memref_slice %arg8[%dma_wait3A_57, %dma_wait3A_58] : memref<125x128xf32, #tpu.memory_space<vmem>> -> memref<120x128xf32, #tpu.memory_space<vmem>>
      tpu.wait_dma2 semaphore(%run_scoped3A : memref<!tpu.dma_semaphore, #tpu.memory_space<semaphore_mem>>) src(%dma_wait3A_59 : memref<120x128xf32, #tpu.memory_space<vmem>>) dst(%dma_wait3A_56 : memref<120x128xf32, #tpu.memory_space<vmem_shared>>)
      tpu.yield
    }) : () -> ()
    %mul3A_23 = arith.constant 640 : i32
    %mul3A_24 = arith.muli %arg1, %mul3A_23 : i32
    %add3A_25 = arith.constant 480 : i32
    %add3A_26 = arith.addi %mul3A_24, %add3A_25 : i32
    "tpu.region"() ({
      %run_scoped3A = tpu.sem_alloc : memref<!tpu.dma_semaphore, #tpu.memory_space<semaphore_mem>>
      %dma_start3A = arith.constant 0 : i32
      %dma_start3A_42 = arith.constant 0 : i32
      %dma_start3A_43 = tpu.memref_slice %arg8[%dma_start3A, %dma_start3A_42] : memref<125x128xf32, #tpu.memory_space<vmem>> -> memref<120x128xf32, #tpu.memory_space<vmem>>
      %dma_start3A_44 = arith.constant 0 : i32
      %dma_start3A_45 = tpu.memref_slice %arg9[%add3A_26, %dma_start3A_44] : memref<10240x128xf32, #tpu.memory_space<vmem_shared>> -> memref<120x128xf32, #tpu.memory_space<vmem_shared>>
      %dma_start3A_46 = arith.constant 0 : i32
      %dma_start3A_47 = tpu.memref_slice %arg9[%add3A_26, %dma_start3A_46] : memref<10240x128xf32, #tpu.memory_space<vmem_shared>> -> memref<120x128xf32, #tpu.memory_space<vmem_shared>>
      %dma_start3A_48 = arith.constant 0 : i32
      %dma_start3A_49 = arith.constant 0 : i32
      %dma_start3A_50 = tpu.memref_slice %arg8[%dma_start3A_48, %dma_start3A_49] : memref<125x128xf32, #tpu.memory_space<vmem>> -> memref<120x128xf32, #tpu.memory_space<vmem>>
      tpu.enqueue_dma source(%dma_start3A_50 : memref<120x128xf32, #tpu.memory_space<vmem>>) target(%dma_start3A_47 : memref<120x128xf32, #tpu.memory_space<vmem_shared>>) target_semaphore(%run_scoped3A : memref<!tpu.dma_semaphore, #tpu.memory_space<semaphore_mem>>)
      %dma_wait3A = arith.constant 0 : i32
      %dma_wait3A_51 = arith.constant 0 : i32
      %dma_wait3A_52 = tpu.memref_slice %arg8[%dma_wait3A, %dma_wait3A_51] : memref<125x128xf32, #tpu.memory_space<vmem>> -> memref<120x128xf32, #tpu.memory_space<vmem>>
      %dma_wait3A_53 = arith.constant 0 : i32
      %dma_wait3A_54 = tpu.memref_slice %arg9[%add3A_26, %dma_wait3A_53] : memref<10240x128xf32, #tpu.memory_space<vmem_shared>> -> memref<120x128xf32, #tpu.memory_space<vmem_shared>>
      %dma_wait3A_55 = arith.constant 0 : i32
      %dma_wait3A_56 = tpu.memref_slice %arg9[%add3A_26, %dma_wait3A_55] : memref<10240x128xf32, #tpu.memory_space<vmem_shared>> -> memref<120x128xf32, #tpu.memory_space<vmem_shared>>
      %dma_wait3A_57 = arith.constant 0 : i32
      %dma_wait3A_58 = arith.constant 0 : i32
      %dma_wait3A_59 = tpu.memref_slice %arg8[%dma_wait3A_57, %dma_wait3A_58] : memref<125x128xf32, #tpu.memory_space<vmem>> -> memref<120x128xf32, #tpu.memory_space<vmem>>
      tpu.wait_dma2 semaphore(%run_scoped3A : memref<!tpu.dma_semaphore, #tpu.memory_space<semaphore_mem>>) src(%dma_wait3A_59 : memref<120x128xf32, #tpu.memory_space<vmem>>) dst(%dma_wait3A_56 : memref<120x128xf32, #tpu.memory_space<vmem_shared>>)
      tpu.yield
    }) : () -> ()
    %mul3A_27 = arith.constant 640 : i32
    %mul3A_28 = arith.muli %arg1, %mul3A_27 : i32
    %add3A_29 = arith.constant 600 : i32
    %add3A_30 = arith.addi %mul3A_28, %add3A_29 : i32
    "tpu.region"() ({
      %run_scoped3A = tpu.sem_alloc : memref<!tpu.dma_semaphore, #tpu.memory_space<semaphore_mem>>
      %dma_start3A = arith.constant 0 : i32
      %dma_start3A_42 = arith.constant 0 : i32
      %dma_start3A_43 = tpu.memref_slice %arg8[%dma_start3A, %dma_start3A_42] : memref<125x128xf32, #tpu.memory_space<vmem>> -> memref<40x128xf32, #tpu.memory_space<vmem>>
      %dma_start3A_44 = arith.constant 0 : i32
      %dma_start3A_45 = tpu.memref_slice %arg9[%add3A_30, %dma_start3A_44] : memref<10240x128xf32, #tpu.memory_space<vmem_shared>> -> memref<40x128xf32, #tpu.memory_space<vmem_shared>>
      %dma_start3A_46 = arith.constant 0 : i32
      %dma_start3A_47 = tpu.memref_slice %arg9[%add3A_30, %dma_start3A_46] : memref<10240x128xf32, #tpu.memory_space<vmem_shared>> -> memref<40x128xf32, #tpu.memory_space<vmem_shared>>
      %dma_start3A_48 = arith.constant 0 : i32
      %dma_start3A_49 = arith.constant 0 : i32
      %dma_start3A_50 = tpu.memref_slice %arg8[%dma_start3A_48, %dma_start3A_49] : memref<125x128xf32, #tpu.memory_space<vmem>> -> memref<40x128xf32, #tpu.memory_space<vmem>>
      tpu.enqueue_dma source(%dma_start3A_50 : memref<40x128xf32, #tpu.memory_space<vmem>>) target(%dma_start3A_47 : memref<40x128xf32, #tpu.memory_space<vmem_shared>>) target_semaphore(%run_scoped3A : memref<!tpu.dma_semaphore, #tpu.memory_space<semaphore_mem>>)
      %dma_wait3A = arith.constant 0 : i32
      %dma_wait3A_51 = arith.constant 0 : i32
      %dma_wait3A_52 = tpu.memref_slice %arg8[%dma_wait3A, %dma_wait3A_51] : memref<125x128xf32, #tpu.memory_space<vmem>> -> memref<40x128xf32, #tpu.memory_space<vmem>>
      %dma_wait3A_53 = arith.constant 0 : i32
      %dma_wait3A_54 = tpu.memref_slice %arg9[%add3A_30, %dma_wait3A_53] : memref<10240x128xf32, #tpu.memory_space<vmem_shared>> -> memref<40x128xf32, #tpu.memory_space<vmem_shared>>
      %dma_wait3A_55 = arith.constant 0 : i32
      %dma_wait3A_56 = tpu.memref_slice %arg9[%add3A_30, %dma_wait3A_55] : memref<10240x128xf32, #tpu.memory_space<vmem_shared>> -> memref<40x128xf32, #tpu.memory_space<vmem_shared>>
      %dma_wait3A_57 = arith.constant 0 : i32
      %dma_wait3A_58 = arith.constant 0 : i32
      %dma_wait3A_59 = tpu.memref_slice %arg8[%dma_wait3A_57, %dma_wait3A_58] : memref<125x128xf32, #tpu.memory_space<vmem>> -> memref<40x128xf32, #tpu.memory_space<vmem>>
      tpu.wait_dma2 semaphore(%run_scoped3A : memref<!tpu.dma_semaphore, #tpu.memory_space<semaphore_mem>>) src(%dma_wait3A_59 : memref<40x128xf32, #tpu.memory_space<vmem>>) dst(%dma_wait3A_56 : memref<40x128xf32, #tpu.memory_space<vmem_shared>>)
      tpu.yield
    }) : () -> ()
    "tpu.region"() ({
      %run_scoped3A = tpu.sem_alloc : memref<!tpu.dma_semaphore, #tpu.memory_space<semaphore_mem>>
      %dma_start3A = arith.constant 0 : i32
      %dma_start3A_42 = arith.constant 0 : i32
      %dma_start3A_43 = tpu.memref_slice %arg3[%add3A, %dma_start3A, %dma_start3A_42] : memref<32x80x125xi32, #tpu.memory_space<hbm>> -> memref<1x80x125xi32, #tpu.memory_space<hbm>>
      %dma_start3A_44 = tpu.memref_squeeze %dma_start3A_43 : memref<1x80x125xi32, #tpu.memory_space<hbm>> -> memref<80x125xi32, #tpu.memory_space<hbm>>
      %dma_start3A_45 = arith.constant 0 : i32
      %dma_start3A_46 = arith.constant 0 : i32
      %dma_start3A_47 = tpu.memref_slice %arg3[%add3A, %dma_start3A_45, %dma_start3A_46] : memref<32x80x125xi32, #tpu.memory_space<hbm>> -> memref<1x80x125xi32, #tpu.memory_space<hbm>>
      %dma_start3A_48 = tpu.memref_squeeze %dma_start3A_47 : memref<1x80x125xi32, #tpu.memory_space<hbm>> -> memref<80x125xi32, #tpu.memory_space<hbm>>
      tpu.enqueue_dma source(%dma_start3A_48 : memref<80x125xi32, #tpu.memory_space<hbm>>) target(%arg6 : memref<80x125xi32, #tpu.memory_space<vmem>>) target_semaphore(%run_scoped3A : memref<!tpu.dma_semaphore, #tpu.memory_space<semaphore_mem>>)
      %dma_wait3A = arith.constant 0 : i32
      %dma_wait3A_49 = arith.constant 0 : i32
      %dma_wait3A_50 = tpu.memref_slice %arg3[%add3A, %dma_wait3A, %dma_wait3A_49] : memref<32x80x125xi32, #tpu.memory_space<hbm>> -> memref<1x80x125xi32, #tpu.memory_space<hbm>>
      %dma_wait3A_51 = tpu.memref_squeeze %dma_wait3A_50 : memref<1x80x125xi32, #tpu.memory_space<hbm>> -> memref<80x125xi32, #tpu.memory_space<hbm>>
      %dma_wait3A_52 = arith.constant 0 : i32
      %dma_wait3A_53 = arith.constant 0 : i32
      %dma_wait3A_54 = tpu.memref_slice %arg3[%add3A, %dma_wait3A_52, %dma_wait3A_53] : memref<32x80x125xi32, #tpu.memory_space<hbm>> -> memref<1x80x125xi32, #tpu.memory_space<hbm>>
      %dma_wait3A_55 = tpu.memref_squeeze %dma_wait3A_54 : memref<1x80x125xi32, #tpu.memory_space<hbm>> -> memref<80x125xi32, #tpu.memory_space<hbm>>
      tpu.wait_dma2 semaphore(%run_scoped3A : memref<!tpu.dma_semaphore, #tpu.memory_space<semaphore_mem>>) src(%dma_wait3A_55 : memref<80x125xi32, #tpu.memory_space<hbm>>) dst(%arg6 : memref<80x125xi32, #tpu.memory_space<vmem>>)
      tpu.yield
    }) : () -> ()
    "tpu.region"() ({
      %run_scoped3A = tpu.sem_alloc : memref<!tpu.dma_semaphore, #tpu.memory_space<semaphore_mem>>
      %dma_start3A = arith.constant 0 : i32
      %dma_start3A_42 = arith.constant 0 : i32
      %dma_start3A_43 = tpu.memref_slice %arg4[%add3A, %dma_start3A, %dma_start3A_42] : memref<32x80x125xi32, #tpu.memory_space<hbm>> -> memref<1x80x125xi32, #tpu.memory_space<hbm>>
      %dma_start3A_44 = tpu.memref_squeeze %dma_start3A_43 : memref<1x80x125xi32, #tpu.memory_space<hbm>> -> memref<80x125xi32, #tpu.memory_space<hbm>>
      %dma_start3A_45 = arith.constant 0 : i32
      %dma_start3A_46 = arith.constant 0 : i32
      %dma_start3A_47 = tpu.memref_slice %arg4[%add3A, %dma_start3A_45, %dma_start3A_46] : memref<32x80x125xi32, #tpu.memory_space<hbm>> -> memref<1x80x125xi32, #tpu.memory_space<hbm>>
      %dma_start3A_48 = tpu.memref_squeeze %dma_start3A_47 : memref<1x80x125xi32, #tpu.memory_space<hbm>> -> memref<80x125xi32, #tpu.memory_space<hbm>>
      tpu.enqueue_dma source(%dma_start3A_48 : memref<80x125xi32, #tpu.memory_space<hbm>>) target(%arg7 : memref<80x125xi32, #tpu.memory_space<vmem>>) target_semaphore(%run_scoped3A : memref<!tpu.dma_semaphore, #tpu.memory_space<semaphore_mem>>)
      %dma_wait3A = arith.constant 0 : i32
      %dma_wait3A_49 = arith.constant 0 : i32
      %dma_wait3A_50 = tpu.memref_slice %arg4[%add3A, %dma_wait3A, %dma_wait3A_49] : memref<32x80x125xi32, #tpu.memory_space<hbm>> -> memref<1x80x125xi32, #tpu.memory_space<hbm>>
      %dma_wait3A_51 = tpu.memref_squeeze %dma_wait3A_50 : memref<1x80x125xi32, #tpu.memory_space<hbm>> -> memref<80x125xi32, #tpu.memory_space<hbm>>
      %dma_wait3A_52 = arith.constant 0 : i32
      %dma_wait3A_53 = arith.constant 0 : i32
      %dma_wait3A_54 = tpu.memref_slice %arg4[%add3A, %dma_wait3A_52, %dma_wait3A_53] : memref<32x80x125xi32, #tpu.memory_space<hbm>> -> memref<1x80x125xi32, #tpu.memory_space<hbm>>
      %dma_wait3A_55 = tpu.memref_squeeze %dma_wait3A_54 : memref<1x80x125xi32, #tpu.memory_space<hbm>> -> memref<80x125xi32, #tpu.memory_space<hbm>>
      tpu.wait_dma2 semaphore(%run_scoped3A : memref<!tpu.dma_semaphore, #tpu.memory_space<semaphore_mem>>) src(%dma_wait3A_55 : memref<80x125xi32, #tpu.memory_space<hbm>>) dst(%arg7 : memref<80x125xi32, #tpu.memory_space<vmem>>)
      tpu.yield
    }) : () -> ()
    %barrier3A = arith.constant 0 : index
    tpu.barrier barrier_id(%barrier3A)
    %scan3A_31 = arith.constant 0 : i32
    %scan3A_32 = arith.constant 0 : i32
    %scan3A_33 = arith.constant 80 : i32
    %scan3A_34 = arith.addi %scan3A_32, %scan3A_33 : i32
    %scan3A_35 = arith.constant 1 : i32
    scf.for %scan3A_42 = %scan3A_32 to %scan3A_34 step %scan3A_35  : i32 {
      %dma_start3A = arith.constant 0 : i32
      %dma_start3A_43 = tpu.memref_slice %arg6[%scan3A_42, %dma_start3A] : memref<80x125xi32, #tpu.memory_space<vmem>> -> memref<1x125xi32, #tpu.memory_space<vmem>>
      %dma_start3A_44 = tpu.memref_squeeze %dma_start3A_43 : memref<1x125xi32, #tpu.memory_space<vmem>> -> memref<125xi32, #tpu.memory_space<vmem>>
      %dma_start3A_45 = arith.constant 0 : i32
      %dma_start3A_46 = arith.constant 0 : i32
      %dma_start3A_47 = tpu.memref_slice %arg2[%dma_start3A_45, %dma_start3A_46] : memref<10000x128xf32, #tpu.memory_space<hbm>> -> memref<10000x128xf32, #tpu.memory_space<hbm>>
      tpu.enqueue_indirect_dma source(%dma_start3A_47 : memref<10000x128xf32, #tpu.memory_space<hbm>>) target(%arg8 : memref<125x128xf32, #tpu.memory_space<vmem>>) offsets(%dma_start3A_44 : memref<125xi32, #tpu.memory_space<vmem>>) semaphore(%arg10 : memref<!tpu.dma_semaphore, #tpu.memory_space<semaphore_mem>>)
      %dma_wait3A = arith.constant 0 : i32
      %dma_wait3A_48 = tpu.memref_slice %arg6[%scan3A_42, %dma_wait3A] : memref<80x125xi32, #tpu.memory_space<vmem>> -> memref<1x125xi32, #tpu.memory_space<vmem>>
      %dma_wait3A_49 = tpu.memref_squeeze %dma_wait3A_48 : memref<1x125xi32, #tpu.memory_space<vmem>> -> memref<125xi32, #tpu.memory_space<vmem>>
      %dma_wait3A_50 = arith.constant 0 : i32
      %dma_wait3A_51 = arith.constant 0 : i32
      %dma_wait3A_52 = tpu.memref_slice %arg2[%dma_wait3A_50, %dma_wait3A_51] : memref<10000x128xf32, #tpu.memory_space<hbm>> -> memref<10000x128xf32, #tpu.memory_space<hbm>>
      tpu.wait_indirect_dma semaphore(%arg10 : memref<!tpu.dma_semaphore, #tpu.memory_space<semaphore_mem>>) src(%dma_wait3A_52 : memref<10000x128xf32, #tpu.memory_space<hbm>>) dst(%arg8 : memref<125x128xf32, #tpu.memory_space<vmem>>)
      "tpu.region"() ({
        %run_scoped3A = tpu.sem_alloc : memref<!tpu.dma_semaphore, #tpu.memory_space<semaphore_mem>>
        %dma_start3A_53 = arith.constant 0 : i32
        %dma_start3A_54 = tpu.memref_slice %arg7[%scan3A_42, %dma_start3A_53] : memref<80x125xi32, #tpu.memory_space<vmem>> -> memref<1x125xi32, #tpu.memory_space<vmem>>
        %dma_start3A_55 = tpu.memref_squeeze %dma_start3A_54 : memref<1x125xi32, #tpu.memory_space<vmem>> -> memref<125xi32, #tpu.memory_space<vmem>>
        %dma_start3A_56 = arith.constant 0 : i32
        %dma_start3A_57 = arith.constant 0 : i32
        %dma_start3A_58 = tpu.memref_slice %arg9[%dma_start3A_56, %dma_start3A_57] : memref<10240x128xf32, #tpu.memory_space<vmem_shared>> -> memref<10240x128xf32, #tpu.memory_space<vmem_shared>>
        tpu.enqueue_indirect_dma source(%arg8 : memref<125x128xf32, #tpu.memory_space<vmem>>) target(%dma_start3A_58 : memref<10240x128xf32, #tpu.memory_space<vmem_shared>>) offsets(%dma_start3A_55 : memref<125xi32, #tpu.memory_space<vmem>>) semaphore(%run_scoped3A : memref<!tpu.dma_semaphore, #tpu.memory_space<semaphore_mem>>) {add = true}
        %dma_wait3A_59 = arith.constant 0 : i32
        %dma_wait3A_60 = tpu.memref_slice %arg7[%scan3A_42, %dma_wait3A_59] : memref<80x125xi32, #tpu.memory_space<vmem>> -> memref<1x125xi32, #tpu.memory_space<vmem>>
        %dma_wait3A_61 = tpu.memref_squeeze %dma_wait3A_60 : memref<1x125xi32, #tpu.memory_space<vmem>> -> memref<125xi32, #tpu.memory_space<vmem>>
        %dma_wait3A_62 = arith.constant 0 : i32
        %dma_wait3A_63 = arith.constant 0 : i32
        %dma_wait3A_64 = tpu.memref_slice %arg9[%dma_wait3A_62, %dma_wait3A_63] : memref<10240x128xf32, #tpu.memory_space<vmem_shared>> -> memref<10240x128xf32, #tpu.memory_space<vmem_shared>>
        tpu.wait_indirect_dma semaphore(%run_scoped3A : memref<!tpu.dma_semaphore, #tpu.memory_space<semaphore_mem>>) src(%arg8 : memref<125x128xf32, #tpu.memory_space<vmem>>) dst(%dma_wait3A_64 : memref<10240x128xf32, #tpu.memory_space<vmem_shared>>)
        tpu.yield
      }) : () -> ()
    }
    %scan3A_36 = arith.constant 80 : i32
    %barrier3A_37 = arith.constant 0 : index
    tpu.barrier barrier_id(%barrier3A_37)
    %mul3A_38 = arith.constant 640 : i32
    %mul3A_39 = arith.muli %arg1, %mul3A_38 : i32
    %mul3A_40 = arith.constant 640 : i32
    %mul3A_41 = arith.muli %arg1, %mul3A_40 : i32
    "tpu.region"() ({
      %run_scoped3A = tpu.sem_alloc : memref<!tpu.dma_semaphore, #tpu.memory_space<semaphore_mem>>
      %dma_start3A = arith.constant 0 : i32
      %dma_start3A_42 = arith.constant 0 : i32
      %dma_start3A_43 = tpu.memref_slice %arg5[%arg0, %dma_start3A, %dma_start3A_42] : memref<2x10240x128xf32, #tpu.memory_space<hbm>> -> memref<1x10240x128xf32, #tpu.memory_space<hbm>>
      %dma_start3A_44 = tpu.memref_squeeze %dma_start3A_43 : memref<1x10240x128xf32, #tpu.memory_space<hbm>> -> memref<10240x128xf32, #tpu.memory_space<hbm>>
      %dma_start3A_45 = arith.constant 0 : i32
      %dma_start3A_46 = tpu.memref_slice %dma_start3A_44[%mul3A_41, %dma_start3A_45] : memref<10240x128xf32, #tpu.memory_space<hbm>> -> memref<640x128xf32, #tpu.memory_space<hbm>>
      %dma_start3A_47 = arith.constant 0 : i32
      %dma_start3A_48 = tpu.memref_slice %arg9[%mul3A_39, %dma_start3A_47] : memref<10240x128xf32, #tpu.memory_space<vmem_shared>> -> memref<640x128xf32, #tpu.memory_space<vmem_shared>>
      tpu.enqueue_dma source(%dma_start3A_48 : memref<640x128xf32, #tpu.memory_space<vmem_shared>>) target(%dma_start3A_46 : memref<640x128xf32, #tpu.memory_space<hbm>>) target_semaphore(%run_scoped3A : memref<!tpu.dma_semaphore, #tpu.memory_space<semaphore_mem>>)
      %dma_wait3A = arith.constant 0 : i32
      %dma_wait3A_49 = arith.constant 0 : i32
      %dma_wait3A_50 = tpu.memref_slice %arg5[%arg0, %dma_wait3A, %dma_wait3A_49] : memref<2x10240x128xf32, #tpu.memory_space<hbm>> -> memref<1x10240x128xf32, #tpu.memory_space<hbm>>
      %dma_wait3A_51 = tpu.memref_squeeze %dma_wait3A_50 : memref<1x10240x128xf32, #tpu.memory_space<hbm>> -> memref<10240x128xf32, #tpu.memory_space<hbm>>
      %dma_wait3A_52 = arith.constant 0 : i32
      %dma_wait3A_53 = tpu.memref_slice %dma_wait3A_51[%mul3A_41, %dma_wait3A_52] : memref<10240x128xf32, #tpu.memory_space<hbm>> -> memref<640x128xf32, #tpu.memory_space<hbm>>
      %dma_wait3A_54 = arith.constant 0 : i32
      %dma_wait3A_55 = tpu.memref_slice %arg9[%mul3A_39, %dma_wait3A_54] : memref<10240x128xf32, #tpu.memory_space<vmem_shared>> -> memref<640x128xf32, #tpu.memory_space<vmem_shared>>
      tpu.wait_dma2 semaphore(%run_scoped3A : memref<!tpu.dma_semaphore, #tpu.memory_space<semaphore_mem>>) src(%dma_wait3A_55 : memref<640x128xf32, #tpu.memory_space<vmem_shared>>) dst(%dma_wait3A_53 : memref<640x128xf32, #tpu.memory_space<hbm>>)
      tpu.yield
    }) : () -> ()
    return
  }
}

module attributes {stable_mosaic.version = 14 : i64} {
  func.func @_scale_body(%arg0: i32, %arg1: memref<1000x128xf32, #tpu.memory_space<vmem>>, %arg2: memref<1000x128xf32, #tpu.memory_space<vmem>>, %arg3: memref<1000x128xf32, #tpu.memory_space<vmem>>, %arg4: memref<1000x128xf32, #tpu.memory_space<vmem>>, %arg5: memref<1000x128xf32, #tpu.memory_space<vmem>>) attributes {dimension_semantics = [#tpu.dimension_semantics<arbitrary>], iteration_bounds = array<i64: 10>, scalar_prefetch = 0 : i64, scratch_operands = 0 : i64, tpu.core_type = #tpu.core_type<tc>, window_params = [{transform_indices = @transform_0, window_bounds = array<i64: 1000, 128>}, {transform_indices = @transform_1, window_bounds = array<i64: 1000, 128>}, {transform_indices = @transform_2, window_bounds = array<i64: 1000, 128>}, {transform_indices = @transform_3, window_bounds = array<i64: 1000, 128>}, {transform_indices = @transform_4, window_bounds = array<i64: 1000, 128>}]} {
    %get3A = arith.constant 0 : index
    %get3A_0 = arith.constant 0 : index
    %get3A_1 = vector.load %arg1[%get3A, %get3A_0] : memref<1000x128xf32, #tpu.memory_space<vmem>>, vector<1000x1xf32>
    %get3A_2 = arith.constant 0 : index
    %get3A_3 = arith.constant 0 : index
    %get3A_4 = vector.load %arg2[%get3A_2, %get3A_3] : memref<1000x128xf32, #tpu.memory_space<vmem>>, vector<1000x1xf32>
    %add3A = arith.addf %get3A_1, %get3A_4 : vector<1000x1xf32>
    %add3A_5 = arith.constant 1.000000e+00 : f32
    %add3A_6 = vector.broadcast %add3A_5 : f32 to vector<1000x1xf32>
    %add3A_7 = arith.addf %add3A, %add3A_6 : vector<1000x1xf32>
    %rsqrt3A = math.rsqrt %add3A_7 : vector<1000x1xf32>
    %get3A_8 = arith.constant 0 : index
    %get3A_9 = arith.constant 0 : index
    %get3A_10 = vector.load %arg3[%get3A_8, %get3A_9] : memref<1000x128xf32, #tpu.memory_space<vmem>>, vector<1000x128xf32>
    %mul3A = vector.broadcast %rsqrt3A : vector<1000x1xf32> to vector<1000x128xf32>
    %mul3A_11 = arith.mulf %get3A_10, %mul3A : vector<1000x128xf32>
    %swap3A = arith.constant 0 : index
    %swap3A_12 = arith.constant 0 : index
    %swap3A_13 = vector.load %arg4[%swap3A, %swap3A_12] : memref<1000x128xf32, #tpu.memory_space<vmem>>, vector<1000x128xf32>
    tpu.vector_store %arg4[%swap3A, %swap3A_12], %mul3A_11 {strides = array<i32>} : memref<1000x128xf32, #tpu.memory_space<vmem>>, vector<1000x128xf32>,
    %broadcast_in_dim3A = vector.shape_cast %rsqrt3A : vector<1000x1xf32> to vector<1000x1xf32>
    %broadcast_in_dim3A_14 = vector.broadcast %broadcast_in_dim3A : vector<1000x1xf32> to vector<1000x128xf32>
    %swap3A_15 = arith.constant 0 : index
    %swap3A_16 = arith.constant 0 : index
    %swap3A_17 = vector.load %arg5[%swap3A_15, %swap3A_16] : memref<1000x128xf32, #tpu.memory_space<vmem>>, vector<1000x128xf32>
    tpu.vector_store %arg5[%swap3A_15, %swap3A_16], %broadcast_in_dim3A_14 {strides = array<i32>} : memref<1000x128xf32, #tpu.memory_space<vmem>>, vector<1000x128xf32>,
    return
  }
  func.func @transform_0(%arg0: i32) -> (i32, i32) {
    %c0_i32 = arith.constant 0 : i32
    %c0_i32_0 = arith.constant 0 : i32
    return %arg0, %c0_i32 : i32, i32
  }
  func.func @transform_1(%arg0: i32) -> (i32, i32) {
    %c0_i32 = arith.constant 0 : i32
    %c0_i32_0 = arith.constant 0 : i32
    return %arg0, %c0_i32 : i32, i32
  }
  func.func @transform_2(%arg0: i32) -> (i32, i32) {
    %c0_i32 = arith.constant 0 : i32
    %c0_i32_0 = arith.constant 0 : i32
    return %arg0, %c0_i32 : i32, i32
  }
  func.func @transform_3(%arg0: i32) -> (i32, i32) {
    %c0_i32 = arith.constant 0 : i32
    %c0_i32_0 = arith.constant 0 : i32
    return %arg0, %c0_i32 : i32, i32
  }
  func.func @transform_4(%arg0: i32) -> (i32, i32) {
    %c0_i32 = arith.constant 0 : i32
    %c0_i32_0 = arith.constant 0 : i32
    return %arg0, %c0_i32 : i32, i32
  }
}

module attributes {stable_mosaic.version = 14 : i64} {
  func.func @_dense_body(%arg0: i32, %arg1: memref<1000x128xf32, #tpu.memory_space<vmem>>, %arg2: memref<1000x128xf32, #tpu.memory_space<vmem>>, %arg3: memref<1000x128xf32, #tpu.memory_space<vmem>>, %arg4: memref<1000x128xf32, #tpu.memory_space<vmem>>, %arg5: memref<128x256xf32, #tpu.memory_space<vmem>>, %arg6: memref<1x256xf32, #tpu.memory_space<vmem>>, %arg7: memref<256x128xf32, #tpu.memory_space<vmem>>, %arg8: memref<1000x128xf32, #tpu.memory_space<vmem>>) attributes {dimension_semantics = [#tpu.dimension_semantics<arbitrary>], iteration_bounds = array<i64: 10>, scalar_prefetch = 0 : i64, scratch_operands = 0 : i64, tpu.core_type = #tpu.core_type<tc>, window_params = [{transform_indices = @transform_0, window_bounds = array<i64: 1000, 128>}, {transform_indices = @transform_1, window_bounds = array<i64: 1000, 128>}, {transform_indices = @transform_2, window_bounds = array<i64: 1000, 128>}, {transform_indices = @transform_3, window_bounds = array<i64: 1000, 128>}, {pipeline_mode = #tpu.pipeline_mode<synchronous>, transform_indices = @transform_4, window_bounds = array<i64: 128, 256>}, {pipeline_mode = #tpu.pipeline_mode<synchronous>, transform_indices = @transform_5, window_bounds = array<i64: 1, 256>}, {pipeline_mode = #tpu.pipeline_mode<synchronous>, transform_indices = @transform_6, window_bounds = array<i64: 256, 128>}, {transform_indices = @transform_7, window_bounds = array<i64: 1000, 128>}]} {
    %get3A = arith.constant 0 : index
    %get3A_0 = arith.constant 0 : index
    %get3A_1 = vector.load %arg4[%get3A, %get3A_0] : memref<1000x128xf32, #tpu.memory_space<vmem>>, vector<1000x128xf32>
    %get3A_2 = arith.constant 0 : index
    %get3A_3 = arith.constant 0 : index
    %get3A_4 = vector.load %arg1[%get3A_2, %get3A_3] : memref<1000x128xf32, #tpu.memory_space<vmem>>, vector<1000x128xf32>
    %get3A_5 = arith.constant 0 : index
    %get3A_6 = arith.constant 0 : index
    %get3A_7 = vector.load %arg2[%get3A_5, %get3A_6] : memref<1000x128xf32, #tpu.memory_space<vmem>>, vector<1000x128xf32>
    %add3A = arith.addf %get3A_4, %get3A_7 : vector<1000x128xf32>
    %get3A_8 = arith.constant 0 : index
    %get3A_9 = arith.constant 0 : index
    %get3A_10 = vector.load %arg3[%get3A_8, %get3A_9] : memref<1000x128xf32, #tpu.memory_space<vmem>>, vector<1000x128xf32>
    %add3A_11 = arith.addf %add3A, %get3A_10 : vector<1000x128xf32>
    %mul3A = arith.mulf %get3A_1, %add3A_11 : vector<1000x128xf32>
    %get3A_12 = arith.constant 0 : index
    %get3A_13 = arith.constant 0 : index
    %get3A_14 = vector.load %arg5[%get3A_12, %get3A_13] : memref<128x256xf32, #tpu.memory_space<vmem>>, vector<128x256xf32>
    %dot_general3A = arith.constant dense<0.000000e+00> : vector<1000x256xf32>
    %dot_general3A_15 = tpu.matmul %mul3A, %get3A_14, %dot_general3A {dimension_numbers = #tpu.dot_dimension_numbers<[1], [0], [0], [1], [0, 0, 1, 1], [], []>, transpose_lhs_hint = false} : vector<1000x128xf32>, vector<128x256xf32>, vector<1000x256xf32> -> vector<1000x256xf32>
    %get3A_16 = arith.constant 0 : index
    %get3A_17 = arith.constant 0 : index
    %get3A_18 = vector.load %arg6[%get3A_16, %get3A_17] : memref<1x256xf32, #tpu.memory_space<vmem>>, vector<1x256xf32>
    %add3A_19 = vector.broadcast %get3A_18 : vector<1x256xf32> to vector<1000x256xf32>
    %add3A_20 = arith.addf %dot_general3A_15, %add3A_19 : vector<1000x256xf32>
    %ge3A = arith.constant 0.000000e+00 : f32
    %ge3A_21 = vector.broadcast %ge3A : f32 to vector<1000x256xf32>
    %ge3A_22 = arith.cmpf oge, %add3A_20, %ge3A_21 : vector<1000x256xf32>
    %mul3A_23 = arith.constant 0.00999999977 : f32
    %mul3A_24 = vector.broadcast %mul3A_23 : f32 to vector<1000x256xf32>
    %mul3A_25 = arith.mulf %mul3A_24, %add3A_20 : vector<1000x256xf32>
    %select_n3A = arith.select %ge3A_22, %add3A_20, %mul3A_25 : vector<1000x256xi1>, vector<1000x256xf32>
    %get3A_26 = arith.constant 0 : index
    %get3A_27 = arith.constant 0 : index
    %get3A_28 = vector.load %arg7[%get3A_26, %get3A_27] : memref<256x128xf32, #tpu.memory_space<vmem>>, vector<256x128xf32>
    %dot_general3A_29 = arith.constant dense<0.000000e+00> : vector<1000x128xf32>
    %dot_general3A_30 = tpu.matmul %select_n3A, %get3A_28, %dot_general3A_29 {dimension_numbers = #tpu.dot_dimension_numbers<[1], [0], [0], [1], [0, 0, 1, 1], [], []>, transpose_lhs_hint = false} : vector<1000x256xf32>, vector<256x128xf32>, vector<1000x128xf32> -> vector<1000x128xf32>
    %get3A_31 = arith.constant 0 : index
    %get3A_32 = arith.constant 0 : index
    %get3A_33 = vector.load %arg4[%get3A_31, %get3A_32] : memref<1000x128xf32, #tpu.memory_space<vmem>>, vector<1000x128xf32>
    %mul3A_34 = arith.mulf %dot_general3A_30, %get3A_33 : vector<1000x128xf32>
    %swap3A = arith.constant 0 : index
    %swap3A_35 = arith.constant 0 : index
    %swap3A_36 = vector.load %arg8[%swap3A, %swap3A_35] : memref<1000x128xf32, #tpu.memory_space<vmem>>, vector<1000x128xf32>
    tpu.vector_store %arg8[%swap3A, %swap3A_35], %mul3A_34 {strides = array<i32>} : memref<1000x128xf32, #tpu.memory_space<vmem>>, vector<1000x128xf32>,
    return
  }
  func.func @transform_0(%arg0: i32) -> (i32, i32) {
    %c0_i32 = arith.constant 0 : i32
    %c0_i32_0 = arith.constant 0 : i32
    return %arg0, %c0_i32 : i32, i32
  }
  func.func @transform_1(%arg0: i32) -> (i32, i32) {
    %c0_i32 = arith.constant 0 : i32
    %c0_i32_0 = arith.constant 0 : i32
    return %arg0, %c0_i32 : i32, i32
  }
  func.func @transform_2(%arg0: i32) -> (i32, i32) {
    %c0_i32 = arith.constant 0 : i32
    %c0_i32_0 = arith.constant 0 : i32
    return %arg0, %c0_i32 : i32, i32
  }
  func.func @transform_3(%arg0: i32) -> (i32, i32) {
    %c0_i32 = arith.constant 0 : i32
    %c0_i32_0 = arith.constant 0 : i32
    return %arg0, %c0_i32 : i32, i32
  }
  func.func @transform_4(%arg0: i32) -> (i32, i32) {
    %c0_i32 = arith.constant 0 : i32
    %c0_i32_0 = arith.constant 0 : i32
    %c0_i32_1 = arith.constant 0 : i32
    return %c0_i32, %c0_i32_0 : i32, i32
  }
  func.func @transform_5(%arg0: i32) -> (i32, i32) {
    %c0_i32 = arith.constant 0 : i32
    %c0_i32_0 = arith.constant 0 : i32
    %c0_i32_1 = arith.constant 0 : i32
    return %c0_i32, %c0_i32_0 : i32, i32
  }
  func.func @transform_6(%arg0: i32) -> (i32, i32) {
    %c0_i32 = arith.constant 0 : i32
    %c0_i32_0 = arith.constant 0 : i32
    %c0_i32_1 = arith.constant 0 : i32
    return %c0_i32, %c0_i32_0 : i32, i32
  }
  func.func @transform_7(%arg0: i32) -> (i32, i32) {
    %c0_i32 = arith.constant 0 : i32
    %c0_i32_0 = arith.constant 0 : i32
    return %arg0, %c0_i32 : i32, i32
  }
}

module attributes {stable_mosaic.version = 14 : i64} {
  func.func @_out_body(%arg0: i32, %arg1: memref<1000x128xf32, #tpu.memory_space<vmem>>, %arg2: memref<1000x128xf32, #tpu.memory_space<vmem>>, %arg3: memref<1000x128xf32, #tpu.memory_space<vmem>>, %arg4: memref<1000x128xf32, #tpu.memory_space<vmem>>, %arg5: memref<1x128xf32, #tpu.memory_space<vmem>>, %arg6: memref<1000x128xf32, #tpu.memory_space<vmem>>) attributes {dimension_semantics = [#tpu.dimension_semantics<arbitrary>], iteration_bounds = array<i64: 10>, scalar_prefetch = 0 : i64, scratch_operands = 0 : i64, tpu.core_type = #tpu.core_type<tc>, window_params = [{transform_indices = @transform_0, window_bounds = array<i64: 1000, 128>}, {transform_indices = @transform_1, window_bounds = array<i64: 1000, 128>}, {transform_indices = @transform_2, window_bounds = array<i64: 1000, 128>}, {transform_indices = @transform_3, window_bounds = array<i64: 1000, 128>}, {pipeline_mode = #tpu.pipeline_mode<synchronous>, transform_indices = @transform_4, window_bounds = array<i64: 1, 128>}, {transform_indices = @transform_5, window_bounds = array<i64: 1000, 128>}]} {
    %get3A = arith.constant 0 : index
    %get3A_0 = arith.constant 0 : index
    %get3A_1 = vector.load %arg4[%get3A, %get3A_0] : memref<1000x128xf32, #tpu.memory_space<vmem>>, vector<1000x128xf32>
    %get3A_2 = arith.constant 0 : index
    %get3A_3 = arith.constant 0 : index
    %get3A_4 = vector.load %arg1[%get3A_2, %get3A_3] : memref<1000x128xf32, #tpu.memory_space<vmem>>, vector<1000x128xf32>
    %get3A_5 = arith.constant 0 : index
    %get3A_6 = arith.constant 0 : index
    %get3A_7 = vector.load %arg2[%get3A_5, %get3A_6] : memref<1000x128xf32, #tpu.memory_space<vmem>>, vector<1000x128xf32>
    %add3A = arith.addf %get3A_4, %get3A_7 : vector<1000x128xf32>
    %get3A_8 = arith.constant 0 : index
    %get3A_9 = arith.constant 0 : index
    %get3A_10 = vector.load %arg3[%get3A_8, %get3A_9] : memref<1000x128xf32, #tpu.memory_space<vmem>>, vector<1000x128xf32>
    %add3A_11 = arith.addf %add3A, %get3A_10 : vector<1000x128xf32>
    %mul3A = arith.mulf %get3A_1, %add3A_11 : vector<1000x128xf32>
    %get3A_12 = arith.constant 0 : index
    %get3A_13 = arith.constant 0 : index
    %get3A_14 = vector.load %arg5[%get3A_12, %get3A_13] : memref<1x128xf32, #tpu.memory_space<vmem>>, vector<1x128xf32>
    %add3A_15 = vector.broadcast %get3A_14 : vector<1x128xf32> to vector<1000x128xf32>
    %add3A_16 = arith.addf %mul3A, %add3A_15 : vector<1000x128xf32>
    %swap3A = arith.constant 0 : index
    %swap3A_17 = arith.constant 0 : index
    %swap3A_18 = vector.load %arg6[%swap3A, %swap3A_17] : memref<1000x128xf32, #tpu.memory_space<vmem>>, vector<1000x128xf32>
    tpu.vector_store %arg6[%swap3A, %swap3A_17], %add3A_16 {strides = array<i32>} : memref<1000x128xf32, #tpu.memory_space<vmem>>, vector<1000x128xf32>,
    return
  }
  func.func @transform_0(%arg0: i32) -> (i32, i32) {
    %c0_i32 = arith.constant 0 : i32
    %c0_i32_0 = arith.constant 0 : i32
    return %arg0, %c0_i32 : i32, i32
  }
  func.func @transform_1(%arg0: i32) -> (i32, i32) {
    %c0_i32 = arith.constant 0 : i32
    %c0_i32_0 = arith.constant 0 : i32
    return %arg0, %c0_i32 : i32, i32
  }
  func.func @transform_2(%arg0: i32) -> (i32, i32) {
    %c0_i32 = arith.constant 0 : i32
    %c0_i32_0 = arith.constant 0 : i32
    return %arg0, %c0_i32 : i32, i32
  }
  func.func @transform_3(%arg0: i32) -> (i32, i32) {
    %c0_i32 = arith.constant 0 : i32
    %c0_i32_0 = arith.constant 0 : i32
    return %arg0, %c0_i32 : i32, i32
  }
  func.func @transform_4(%arg0: i32) -> (i32, i32) {
    %c0_i32 = arith.constant 0 : i32
    %c0_i32_0 = arith.constant 0 : i32
    %c0_i32_1 = arith.constant 0 : i32
    return %c0_i32, %c0_i32_0 : i32, i32
  }
  func.func @transform_5(%arg0: i32) -> (i32, i32) {
    %c0_i32 = arith.constant 0 : i32
    %c0_i32_0 = arith.constant 0 : i32
    return %arg0, %c0_i32 : i32, i32
  }
}

</mosaic_0001>

<sc_bundles>
// kernel: kernel.11.cloned.1.call-start
scs
__scs_entry_jumppad:
0x0: {  	(pc) =	sbr.rel $0x88, $3  }
0x1: {  	(tag) =	ssettag $0x0;
	lr =	simm.s32 $0x1  }
0x2: {  	[smem:$0x3F9B] =	sst lr;
	_ =	strace $0xD0000000  }
0x3: {  	_ = 	snop  }
0x4: {  	_ = 	snop  }
0x5: {  	_ = 	snop  }
0x6: {  	_ = 	snop  }
0x7: {  	_ = 	snop  }
__scs_overlays_trampoline_lowered:
0x8: {  	[smem:$0x3FAA] =	sst s0  }
0x9: {  	[smem:$0x3FAB] =	sst s1  }
0xa: {  	[smem:$0x3FAC] =	sst s2  }
0xb: {  	[smem:$0x3FAD] =	sst s3  }
0xc: {  	[smem:$0x3FAE] =	sst s4  }
0xd: {  	[smem:$0x3FAF] =	sst s5  }
0xe: {  	[smem:$0x3FB0] =	sst s6  }
0xf: {  	[smem:$0x3FB1] =	sst s7  }
0x10: {  	[smem:$0x3FB2] =	sst s8  }
0x11: {  	[smem:$0x3FB3] =	sst s9;
	s0 =	simm.s32 @!p0 $0x0  }
0x12: {  	s1 =	sld [smem:$0x3F99];
	s0 =	simm.s32 @p0 $0x1  }
0x13: {  	[smem:$0x3FB4] =	sst s0;
	s0 =	simm.s32 @!p1 $0x0  }
0x14: {  	s2 =	sld [smem:$0x3F98];
	s0 =	simm.s32 @p1 $0x1  }
0x15: {  	[smem:$0x3FB5] =	sst s0;
	s0 =	simm.s32 @!p2 $0x0  }
0x16: {  	s3 =	sld [smem:$0x3FDB];
	s0 =	simm.s32 @p2 $0x1  }
0x17: {  	s4 =	simm.s32 $0x1BF5;
	[smem:$0x3FB7] =	sst s0  }
0x18: {  	s0 =	sld [smem:$0x3F9A];
	_ =	swait.ge [sflag:s4], $0x0  }
0x19: {  	s7 =	sld [smem:$0x3F9B]  }
0x1a: {  	s8 =	sadd.s32 $0xFFFFE003, lr  }
0x1b: {  	s9 =	sadd.s32 $0xFFFFFEF7, lr;
	s5 =	simm.s32 $0xFFFFFFFF;
	p2 =	slt.u32 s8, $0xFFFFF086  }
0x1c: {  	p1 =	slt.u32 s9, $0xF7A;
	s5 =	simm.s32 @!p2 $0x0  }
0x1d: {  	s5 =	simm.s32 @p1 $0x1;
	p0 =	seq.s32 s7, s2  }
0x1e: {  	s7 =	smul.u32 @!p0 $0xF7A, s2;
	p2 =	seq.s32 @!p0 s5, $0x0  }
0x1f: {  	s9 =	smul.u32 $0xF7A, s1;
	s8 =	simm.s32 @!p0 $0x1BF5;
	p2 =	por !p2, p0  }
0x20: {  	[sflag:s8] =	ssyncset.s32 @!p0 $0xFFFFF086;
	s6 =	sadd.s32 @!p0 s3, s7;
	s7 =	simm.s32 @!p0 $0x108  }
0x21: {  	s3 =	sadd.s32 s3, s9;
	s6 =	sadd.s32 @!p0 $0x88, s6;
	s7 =	simm.s32 @p2 $0x1082  }
0x22: {  	[simem:s7], [sflag:s8] =	dma.local @!p0 [hbm:s6], $0xF7A  }
0x23: {  	s9 =	sor.u32 $0xD0000000, s2;
	s6 =	simm.s32 $0x108;
	_ =	swait.ge @!p0 [sflag:s8], $0x0  }
0x24: {  	s3 =	sadd.s32 $0x88, s3;
	s6 =	simm.s32 @!p1 $0x1082;
	[sflag:s4] =	ssyncset.s32 $0xFFFFF086  }
0x25: {  	[simem:s6], [sflag:s4] =	dma.local [hbm:s3], $0xF7A  }
0x26: {  	[smem:$0x3F9B] =	sst s1;
	(tag) =	ssettag s2;
	_ =	strace s9  }
0x27: {  	s1 =	sld [smem:$0x3FAB]  }
0x28: {  	s2 =	sld [smem:$0x3FAC]  }
0x29: {  	s4 =	sld [smem:$0x3FAE]  }
0x2a: {  	p0 =	seq.s32 s5, $0x0;
	s5 =	sld [smem:$0x3FAF]  }
0x2b: {  	s6 =	sld [smem:$0x3FB0]  }
0x2c: {  	s7 =	sld [smem:$0x3FB1]  }
0x2d: {  	s3 =	simm.s32 $0x108;
	s8 =	sld [smem:$0x3FB2]  }
0x2e: {  	s3 =	simm.s32 @!p0 $0x1082;
	s9 =	sld [smem:$0x3FB3]  }
0x2f: {  	lr =	sadd.s32 s0, s3;
	s0 =	sld [smem:$0x3FAA]  }
0x30: {  	s3 =	sld [smem:$0x3FAD]  }
0x31: {  	[smem:$0x3FB6] =	sst s10  }
0x32: {  	s10 =	sld [smem:$0x3FB4];
	_ =	sdelay $0x3  }
0x33: {  	p0 =	seq.s32 s10, $0x1;
	s10 =	sld [smem:$0x3FB6];
	_ =	sdelay $0x3  }
0x34: {  	[smem:$0x3FB6] =	sst s10  }
0x35: {  	s10 =	sld [smem:$0x3FB5];
	_ =	sdelay $0x3  }
0x36: {  	p1 =	seq.s32 s10, $0x1;
	s10 =	sld [smem:$0x3FB6];
	_ =	sdelay $0x3  }
0x37: {  	[smem:$0x3FB6] =	sst s10  }
0x38: {  	s10 =	sld [smem:$0x3FB7]  }
0x39: {  	_ = 	snop;
	(pc) =	sbr.ind lr, $3  }
0x3a: {  	_ = 	snop  }
0x3b: {  	_ = 	snop  }
0x3c: {  	p2 =	seq.s32 s10, $0x1;
	s10 =	sld [smem:$0x3FB6]  }
0x3d: {  	_ =	shalt  }
0x3e: {  	_ =	shalt  }
0x3f: {  	_ =	shalt  }
0x40: {  	_ =	shalt  }
0x41: {  	_ =	shalt  }
0x42: {  	_ =	shalt  }
0x43: {  	_ =	shalt  }
0x44: {  	_ =	shalt  }
0x45: {  	_ =	shalt  }
0x46: {  	_ =	shalt  }
0x47: {  	_ =	shalt  }
0x48: {  	_ =	shalt  }
0x49: {  	_ =	shalt  }
0x4a: {  	_ =	shalt  }
0x4b: {  	_ =	shalt  }
0x4c: {  	_ =	shalt  }
0x4d: {  	_ =	shalt  }
0x4e: {  	_ =	shalt  }
0x4f: {  	_ =	shalt  }
0x50: {  	_ =	shalt  }
0x51: {  	_ =	shalt  }
0x52: {  	_ =	shalt  }
0x53: {  	_ =	shalt  }
0x54: {  	_ =	shalt  }
0x55: {  	_ =	shalt  }
0x56: {  	_ =	shalt  }
0x57: {  	_ =	shalt  }
0x58: {  	_ =	shalt  }
0x59: {  	_ =	shalt  }
0x5a: {  	_ =	shalt  }
0x5b: {  	_ =	shalt  }
0x5c: {  	_ =	shalt  }
0x5d: {  	_ =	shalt  }
0x5e: {  	_ =	shalt  }
0x5f: {  	_ =	shalt  }
0x60: {  	_ =	shalt  }
0x61: {  	_ =	shalt  }
0x62: {  	_ =	shalt  }
0x63: {  	_ =	shalt  }
0x64: {  	_ =	shalt  }
0x65: {  	_ =	shalt  }
0x66: {  	_ =	shalt  }
0x67: {  	_ =	shalt  }
0x68: {  	_ =	shalt  }
0x69: {  	_ =	shalt  }
0x6a: {  	_ =	shalt  }
0x6b: {  	_ =	shalt  }
0x6c: {  	_ =	shalt  }
0x6d: {  	_ =	shalt  }
0x6e: {  	_ =	shalt  }
0x6f: {  	_ =	shalt  }
0x70: {  	_ =	shalt  }
0x71: {  	_ =	shalt  }
0x72: {  	_ =	shalt  }
0x73: {  	_ =	shalt  }
0x74: {  	_ =	shalt  }
0x75: {  	_ =	shalt  }
0x76: {  	_ =	shalt  }
0x77: {  	_ =	shalt  }
0x78: {  	_ =	shalt  }
0x79: {  	_ =	shalt  }
0x7a: {  	_ =	shalt  }
0x7b: {  	_ =	shalt  }
0x7c: {  	_ =	shalt  }
0x7d: {  	_ =	shalt  }
0x7e: {  	_ =	shalt  }
0x7f: {  	_ =	shalt  }
0x80: {  	_ =	shalt  }
0x81: {  	_ =	shalt  }
0x82: {  	_ =	shalt  }
0x83: {  	_ =	shalt  }
0x84: {  	_ =	shalt  }
0x85: {  	_ =	shalt  }
0x86: {  	_ =	shalt  }
0x87: {  	_ =	shalt  }
.Lfunc_end0:
.L_simem_size_0:
called_computation.1_lowered:
.L_overlay_start_0:
0x88: {  	s2 =	sld [smem:$0x3FD9]  }
0x89: {  	s3 =	sld [smem:$0x3FFE];
	_ =	sdelay $0x1  }
0x8a: {  	s1 =	srdreg.scid  }
0x8b: {  	s0 =	sand.u32 $0x1, s1  }
0x8c: {  	s17 =	sshll.u32 s0, $0xA;
	s2 =	sadd.s32 s3, s2  }
0x8d: {  	s2 =	sadd.s32 s2, s17  }
0x8e: {  	[smem:$0x3FC2] =	sst s2  }
0x8f: {  	_ = 	snop  }
0x90: {  	s2 =	sld [smem:$0x3FD0];
	(tm) =	ssettm $0x1  }
0x91: {  	s18 =	sld [smem:$0x3FFB];
	_ =	sdelay $0x3  }
0x92: {  	_ =	strace s18  }
0x93: {  	s3 =	sld [smem:$0x3FFC];
	_ =	sdelay $0x3  }
0x94: {  	_ =	strace s3  }
0x95: {  	s3 =	sld [smem:$0x3FFD];
	_ =	sdelay $0x3  }
0x96: {  	_ =	strace s3  }
0x97: {  	_ =	strace $0x8FFFFFFF  }
0x98: {  	s19 =	sld [smem:$0x3FDB];
	_ =	sdelay $0x1  }
0x99: {  	s4 =	simm.s32 $_scs_section_size  }
0x9a: {  	s5 =	simm.s32 $_size__tile_overlayer_lowered;
	s6 =	simm.s32 $_tile_overlayer_lowered  }
0x9b: {  	s22 =	simm.s32 $0x1BFF;
	s21 =	sshll.u32 s6, $0x1;
	s3 =	sadd.s32 s4, s19  }
0x9c: {  	s7 =	simm.s32 $0x0;
	s20 =	sshll.u32 s5, $0x1;
	s5 =	sadd.s32 s21, s3  }
0x9d: {  	[timem:s7], [sflag:s22] =	dma.local [hbm:s5], s20  }
0x9e: {  	_ =	swait.ge [sflag:s22], s20  }
0x9f: {  	s4 =	ssub.s32 $0x0, s20;
	[sflag:s22] =	ssyncset.done $0x0  }
0xa0: {  	[sflag:s22] =	ssyncadd.s32 s4;
	_ =	sdelay $0x1  }
0xa1: {  	s23 =	simm.s32 $0x1B8B  }
0xa2: {  	_ =	swait.ge [sflag:s23], $0x1  }
0xa3: {  	[sflag:s23] =	ssyncset.done $0x0  }
0xa4: {  	s25 =	simm.s32 $0x1B8E;
	s24 =	sld [smem:$0x3FFE];
	[sflag:s23] =	ssyncadd.s32 $0xFFFFFFFF  }
0xa5: {  	s26 =	simm.s32 $execute0_lowered;
	[smem:$0x3FD2] =	sst s25  }
0xa6: {  	s5 =	sshll.u32 s26, $0x1;
	_ =	strace $0x80000049;
	[dreg:$0x1] =	wrdreg $0xFFFFFFFF  }
0xa7: {  	s28 =	simm.s32 $_size_execute0_lowered;
	s3 =	sadd.s32 s3, s5;
	[dreg:$0x0] =	wrdreg $0x0  }
0xa8: {  	s5 =	sshll.u32 s28, $0x1;
	[dreg:$0x2] =	wrdreg s3  }
0xa9: {  	[dreg:$0x3] =	wrdreg s5  }
0xaa: {  	[dreg:$0x4] =	wrdreg $0xC0  }
0xab: {  	_ =	task [dreg:s7], $0x5FFFF  }
0xac: {  	[dreg:$0x1] =	wrdreg $0xFFFFFFFF  }
0xad: {  	[dreg:$0x0] =	wrdreg $0x60  }
0xae: {  	[dreg:$0x2] =	wrdreg s2  }
0xaf: {  	[dreg:$0x3] =	wrdreg s24  }
0xb0: {  	[dreg:$0x4] =	wrdreg $0x90000  }
0xb1: {  	[dreg:$0x5] =	wrdreg $0x9  }
0xb2: {  	_ =	task.clear_ibuf [dreg:s7], $0x6FFFF;
	_ =	strace $0x90000049  }
0xb3: {  	s29 =	simm.s32 $0x9;
	_ =	strace $0x8000004B  }
0xb4: {  	_ =	swait.ge [sflag:s29], $0x1  }
0xb5: {  	[sflag:s29] =	ssyncadd.s32 $0xFFFFFFFF  }
0xb6: {  	_ =	strace $0x9000004B  }
0xb7: {  	_ =	sfence  }
0xb8: {  	s30 =	sld [smem:$0x0];
	_ =	sdelay $0x2  }
0xb9: {  	s31 =	sshll.u32 s1, $0xD;
	s1 =	sshrl.u32 s1, $0x2  }
0xba: {  	s3 =	sand.u32 $0x4000, s31;
	s1 =	sadd.s32 s1, s30  }
0xbb: {  	s0 =	sor.u32 s3, s0;
	s1 =	sshll.u32 s1, $0x11  }
0xbc: {  	s0 =	sor.u32 s1, s0  }
0xbd: {  	s0 =	sadd.s32 $0x8F2B, s0  }
0xbe: {  	[sflag:s0] =	ssyncadd.remote.s32 $0x1  }
0xbf: {  	_ =	sfence.sel $0xFFFF  }
0xc0: {  	[dreg:$0x0] =	wrdreg $0xFFFFFFFF;
	(pc) =	sbr.abs _section_cstart, $3  }
0xc1: {  	[dreg:$0x1] =	wrdreg $0xFFFFFFFF  }
0xc2: {  	_ =	task.clear_ibuf [dreg:s7], $0x2FFFF;
	_ =	strace $0x9FFFFFFF  }
0xc3: {  	(tm) =	ssettm $0x7FFFFFFF  }
tec
execute0_lowered:
.L_overlay_start_1:
0x0: {  	(tag) =	ssettag $0x1  }
0x1: {  	s1 =	rddreg [dreg:$0x0]  }
0x2: {  	s6 =	rddreg [dreg:$0x1]  }
0x3: {  	s2 =	rddreg [dreg:$0x2]  }
0x4: {  	s3 =	srdreg.scid;
	s0 =	rddreg [dreg:$0x3]  }
0x5: {  	s4 =	simm.s32 $0x0;
	s15 =	simm.s32 $0x2;
	s16 =	simm.s32 $0x2800  }
0x6: {  	s17 =	simm.s32 $0x7D;
	s5 =	sand.u32 $0x1, s3;
	s3 =	stileid.u32  }
0x7: {  	s18 =	simm.s32 $0x1;
	[smem:$0x7FF] =	sst s4;
	s8 =	smul.u32 $0x50000, s3  }
0x8: {  	s7 =	sshll.u32 s5, $0x4;
	_ =	strace $0x8000004A;
	s9 =	smul.u32 $0x28000, s5  }
0x9: {  	s10 =	ssub.s32 $0x2, s5;
	s20 =	smul.u32 $0x2800, s3;
	s7 =	sor.u32 s3, s7  }
0xa: {  	s21 =	sshll.u32 s3, $0x6;
	s31 =	sshrl.u32 s10, $0x1;
	s7 =	smul.u32 $0x500, s7  }
0xb: {  	s30 =	sshrl.u32 s8, $0x2;
	s13 =	sadd.s32 s9, s6;
	s14 =	ssub.s32 s10, s31  }
0xc: {  	s5 =	sadd.s32 s30, s2;
	s19 =	sadd.s32 $0x66C00, s13;
	s13 =	smax.u32 s14, $0x1  }
0xd: {  	s14 =	simm.s32 $0x5000;
	s12 =	sadd.s32 s7, s6;
	s6 =	sadd.s32 $0x3C00, s5  }
0xe: {  	s7 =	sadd.s32 $0x7800, s5;
	s8 =	sadd.s32 $0xB400, s5;
	s9 =	sadd.s32 $0xF000, s5  }
0xf: {  	s10 =	sadd.s32 $0x12C00, s5;
	s19 =	sadd.s32 s20, s19;
	s20 =	sor.u32 $0x1C02, s21  }
0x10: {  	v0 =	vimm.f32 $0.0e+00;
	s21 =	sshrl.u32 s5, $0x3;
	s11 =	sadd.s32 $0x5CC00, s12;
	s12 =	sadd.s32 $0x2C00, s12  }
.LBB2_1:
0x11: {  	s22 =	simm.s32 $0x0;
	s23 =	simm.s32 $0x200  }
.LBB2_2:
0x12: {  	p0 =	sne.s32 s23, $0xF800;
	[tilespmem:s22+$0x5070] =	vst v0  }
0x13: {  	[tilespmem:s22+$0x5000] =	vst v0  }
0x14: {  	[tilespmem:s22+$0x5010] =	vst v0  }
.Ltmp0:
0x15: {  	[tilespmem:s22+$0x5020] =	vst v0;
	(pc) =	sbr.rel @p0 .LBB2_2-.Ltmp0, $4  }
0x16: {  	[tilespmem:s22+$0x5030] =	vst v0  }
0x17: {  	[tilespmem:s22+$0x5040] =	vst v0  }
0x18: {  	[tilespmem:s22+$0x5050] =	vst v0  }
0x19: {  	[tilespmem:s22+$0x5060] =	vst v0;
	s22 =	sshra.s32 s23, $0x2;
	s23 =	sadd.s32 $0x200, s23  }
0x1a: {  	[tilespmem:s22+$0x5070] =	vst v0  }
0x1b: {  	[tilespmem:s22+$0x5000] =	vst v0  }
0x1c: {  	[tilespmem:s22+$0x5010] =	vst v0  }
0x1d: {  	[tilespmem:s22+$0x5020] =	vst v0  }
0x1e: {  	[tilespmem:s22+$0x5030] =	vst v0  }
0x1f: {  	[tilespmem:s22+$0x5040] =	vst v0  }
0x20: {  	[tilespmem:s22+$0x5050] =	vst v0  }
0x21: {  	[tilespmem:s22+$0x5060] =	vst v0  }
0x22: {  	[spmem:s5] =	stream.linear.scatter [tilespmem:s14], [sflag:$0x2], $0x3C00, $0x38;
	[tilespmem:$0x1D000] =	vst v63  }
0x23: {  	_ =	swait.ge [sflag:s15], $0x3C00  }
0x24: {  	[sflag:s15] =	ssyncset.done $0x0  }
0x25: {  	[sflag:s15] =	ssyncadd.s32 $0xFFFFC400  }
0x26: {  	[spmem:s6] =	stream.linear.scatter [tilespmem:s14], [sflag:$0x2], $0x3C00, $0x38;
	[tilespmem:$0x1D000] =	vst v63  }
0x27: {  	_ =	swait.ge [sflag:s15], $0x3C00  }
0x28: {  	[sflag:s15] =	ssyncset.done $0x0  }
0x29: {  	[sflag:s15] =	ssyncadd.s32 $0xFFFFC400  }
0x2a: {  	[spmem:s7] =	stream.linear.scatter [tilespmem:s14], [sflag:$0x2], $0x3C00, $0x38;
	[tilespmem:$0x1D000] =	vst v63  }
0x2b: {  	_ =	swait.ge [sflag:s15], $0x3C00  }
0x2c: {  	[sflag:s15] =	ssyncset.done $0x0  }
0x2d: {  	[sflag:s15] =	ssyncadd.s32 $0xFFFFC400  }
0x2e: {  	[spmem:s8] =	stream.linear.scatter [tilespmem:s14], [sflag:$0x2], $0x3C00, $0x38;
	[tilespmem:$0x1D000] =	vst v63  }
0x2f: {  	_ =	swait.ge [sflag:s15], $0x3C00  }
0x30: {  	[sflag:s15] =	ssyncset.done $0x0  }
0x31: {  	[sflag:s15] =	ssyncadd.s32 $0xFFFFC400  }
0x32: {  	[spmem:s9] =	stream.linear.scatter [tilespmem:s14], [sflag:$0x2], $0x3C00, $0x38;
	[tilespmem:$0x1D000] =	vst v63  }
0x33: {  	_ =	swait.ge [sflag:s15], $0x3C00  }
0x34: {  	[sflag:s15] =	ssyncset.done $0x0  }
0x35: {  	[sflag:s15] =	ssyncadd.s32 $0xFFFFC400  }
0x36: {  	[spmem:s10] =	stream.linear.scatter [tilespmem:s14], [sflag:$0x2], $0x1400, $0x38;
	[tilespmem:$0x1D000] =	vst v63  }
0x37: {  	_ =	swait.ge [sflag:s15], $0x1400  }
0x38: {  	[sflag:s15] =	ssyncset.done $0x0  }
0x39: {  	s29 =	simm.s32 $0x0;
	[sflag:s15] =	ssyncadd.s32 $0xFFFFEC00  }
0x3a: {  	[tilespmem:s29], [sflag:$0x2] =	stream.linear.gather [hbm4b:s11+s29], $0x2800, $0x38;
	[tilespmem:$0x1D000] =	vst v63  }
0x3b: {  	_ =	swait.ge [sflag:s15], $0x2800  }
0x3c: {  	[sflag:s15] =	ssyncset.done $0x0  }
0x3d: {  	[sflag:s15] =	ssyncadd.s32 $0xFFFFD800  }
0x3e: {  	[tilespmem:s16], [sflag:$0x2] =	stream.linear.gather [hbm4b:s12+s29], $0x2800, $0x38;
	[tilespmem:$0x1D000] =	vst v63  }
0x3f: {  	_ =	swait.ge [sflag:s15], $0x2800  }
0x40: {  	[sflag:s15] =	ssyncset.done $0x0  }
0x41: {  	[sflag:s15] =	ssyncadd.s32 $0xFFFFD800  }
0x42: {  	s30 =	simm.s32 $0x0;
	[bflag:$0x0] =	sbarrier.arrive $0xFFFF  }
0x43: {  	[tilespmem:s14], [sflag:$0x1] =	stream.indirect.gather [hbm4b:s1+s17], $0x80, s30, s17, $0xb8;
	[tilespmem:$0x1D000] =	vst v63  }
0x44: {  	_ =	swait.ge [sflag:s18], $0x3E80  }
0x45: {  	[sflag:s18] =	ssyncset.done $0x0  }
0x46: {  	s31 =	simm.s32 $0x2800;
	[sflag:s18] =	ssyncadd.s32 $0xFFFFC180  }
0x47: {  	[spmem:s2] =	stream.indirect.scatter.add.f32 [tilespmem:s14], [sflag:$0x2], $0x80, s31, s17, $0xb8;
	[tilespmem:$0x1D000] =	vst v63  }
0x48: {  	_ =	swait.ge [sflag:s15], $0x3E80  }
0x49: {  	s22 =	simm.s32 $0x200;
	s23 =	simm.s32 $0x400;
	[sflag:s15] =	ssyncset.done $0x0  }
.LBB2_4:
0x4a: {  	s24 =	sshra.s32 s22, $0x2  }
0x4b: {  	[sflag:s15] =	ssyncadd.s32 $0xFFFFC180;
	s22 =	smov.u32 s23;
	s25 =	sadd.s32 $0x200, s23  }
0x4c: {  	[tilespmem:s14], [sflag:$0x1] =	stream.indirect.gather [hbm4b:s1+s17], $0x80, s24, s17, $0xb8;
	[tilespmem:$0x1D000] =	vst v63  }
0x4d: {  	p0 =	sne.s32 s23, $0x9E00;
	_ =	swait.ge [sflag:s18], $0x3E80  }
.Ltmp1:
0x4e: {  	[sflag:s18] =	ssyncset.done $0x0;
	(pc) =	sbr.rel @p0 .LBB2_4-.Ltmp1, $4  }
0x4f: {  	s23 =	sadd.s32 $0x2800, s24;
	[sflag:s18] =	ssyncadd.s32 $0xFFFFC180  }
0x50: {  	[spmem:s2] =	stream.indirect.scatter.add.f32 [tilespmem:s14], [sflag:$0x2], $0x80, s23, s17, $0xb8;
	[tilespmem:$0x1D000] =	vst v63  }
0x51: {  	_ =	swait.ge [sflag:s15], $0x3E80  }
0x52: {  	s23 =	smov.u32 s25;
	[sflag:s15] =	ssyncset.done $0x0  }
0x53: {  	s22 =	sshra.s32 s22, $0x2;
	[sflag:s15] =	ssyncadd.s32 $0xFFFFC180  }
0x54: {  	[tilespmem:s14], [sflag:$0x1] =	stream.indirect.gather [hbm4b:s1+s17], $0x80, s22, s17, $0xb8;
	[tilespmem:$0x1D000] =	vst v63  }
0x55: {  	_ =	swait.ge [sflag:s18], $0x3E80  }
0x56: {  	[sflag:s18] =	ssyncset.done $0x0  }
0x57: {  	s22 =	sadd.s32 $0x2800, s22;
	[sflag:s18] =	ssyncadd.s32 $0xFFFFC180  }
0x58: {  	[spmem:s2] =	stream.indirect.scatter.add.f32 [tilespmem:s14], [sflag:$0x2], $0x80, s22, s17, $0xb8;
	[tilespmem:$0x1D000] =	vst v63  }
0x59: {  	_ =	swait.ge [sflag:s15], $0x3E80  }
0x5a: {  	s4 =	sadd.s32 $0x1, s4;
	[sflag:s15] =	ssyncset.done $0x0  }
0x5b: {  	p0 =	sne.s32 s4, s13;
	[sflag:s15] =	ssyncadd.s32 $0xFFFFC180  }
.Ltmp2:
0x5c: {  	[bflag:$0x0] =	sbarrier.arrive $0xFFFF;
	(pc) =	sbr.rel @p0 .LBB2_1-.Ltmp2, $4  }
0x5d: {  	[hbm:s19], [sflag:s20] =	dma.local [spmem:s21], $0x2800  }
0x5e: {  	_ =	swait.ge [sflag:s15], $0x2800  }
0x5f: {  	[sflag:s15] =	ssyncset.done $0x0  }
0x60: {  	[sflag:s15] =	ssyncadd.s32 $0xFFFFD800  }
0x61: {  	_ =	sfence.sel $0x180000  }
0x62: {  	[bflag:$0x0] =	sbarrier.arrive $0xFFFF  }
0x63: {  	p0 =	sne.s32 s3, $0x0;
	_ =	strace $0x9000004A  }
0x64: {  	s0 =	sadd.s32 @!p0 $0x100000, s0;
	[bflag:$0x2] =	sbarrier.arrive $0xFFFF  }
0x65: {  	[sflag:s0] =	ssyncadd.tile.s32 @!p0 $0x1;
	_ =	shalt  }
.Lfunc_end2:
_tile_overlayer_lowered:
.L_overlay_start_2:
0x66: {  	(tag) =	ssettag $0x2  }
0x67: {  	s0 =	rddreg [dreg:$0x0];
	s2 =	stileid.u32  }
0x68: {  	s1 =	rddreg [dreg:$0x1];
	p0 =	sne.s32 s2, $0x0  }
0x69: {  	s3 =	rddreg [dreg:$0x2];
	[bflag:$0x3] =	sbarrier.arrive $0xFFFF;
	s2 =	simm.s32 @!p0 $0x1C02  }
0x6a: {  	[timem:s3], [sflag:s2] =	dma.local @!p0 [hbm:s0], s1  }
0x6b: {  	s0 =	simm.s32 @!p0 $0x2  }
0x6c: {  	_ =	swait.ge @!p0 [sflag:s0], s1  }
0x6d: {  	s1 =	ssub.s32 @!p0 $0x0, s1;
	[sflag:s0] =	ssyncset.done @!p0 $0x0  }
0x6e: {  	[sflag:s0] =	ssyncadd.s32 @!p0 s1  }
0x6f: {  	[bflag:$0x3] =	sbarrier.arrive $0xFFFF  }
0x70: {  	_ =	shalt  }

// kernel: kernel.14.cloned.1.call-start
scs
__scs_entry_jumppad:
0x0: {  	(pc) =	sbr.rel $0x88, $3  }
0x1: {  	(tag) =	ssettag $0x0;
	lr =	simm.s32 $0x1  }
0x2: {  	[smem:$0x3F9B] =	sst lr;
	_ =	strace $0xD0000000  }
0x3: {  	_ = 	snop  }
0x4: {  	_ = 	snop  }
0x5: {  	_ = 	snop  }
0x6: {  	_ = 	snop  }
0x7: {  	_ = 	snop  }
__scs_overlays_trampoline_lowered:
0x8: {  	[smem:$0x3FAA] =	sst s0  }
0x9: {  	[smem:$0x3FAB] =	sst s1  }
0xa: {  	[smem:$0x3FAC] =	sst s2  }
0xb: {  	[smem:$0x3FAD] =	sst s3  }
0xc: {  	[smem:$0x3FAE] =	sst s4  }
0xd: {  	[smem:$0x3FAF] =	sst s5  }
0xe: {  	[smem:$0x3FB0] =	sst s6  }
0xf: {  	[smem:$0x3FB1] =	sst s7  }
0x10: {  	[smem:$0x3FB2] =	sst s8  }
0x11: {  	[smem:$0x3FB3] =	sst s9;
	s0 =	simm.s32 @!p0 $0x0  }
0x12: {  	s1 =	sld [smem:$0x3F99];
	s0 =	simm.s32 @p0 $0x1  }
0x13: {  	[smem:$0x3FB4] =	sst s0;
	s0 =	simm.s32 @!p1 $0x0  }
0x14: {  	s2 =	sld [smem:$0x3F98];
	s0 =	simm.s32 @p1 $0x1  }
0x15: {  	[smem:$0x3FB5] =	sst s0;
	s0 =	simm.s32 @!p2 $0x0  }
0x16: {  	s3 =	sld [smem:$0x3FDB];
	s0 =	simm.s32 @p2 $0x1  }
0x17: {  	s4 =	simm.s32 $0x1BF5;
	[smem:$0x3FB7] =	sst s0  }
0x18: {  	s0 =	sld [smem:$0x3F9A];
	_ =	swait.ge [sflag:s4], $0x0  }
0x19: {  	s7 =	sld [smem:$0x3F9B]  }
0x1a: {  	s8 =	sadd.s32 $0xFFFFE003, lr  }
0x1b: {  	s9 =	sadd.s32 $0xFFFFFEF7, lr;
	s5 =	simm.s32 $0xFFFFFFFF;
	p2 =	slt.u32 s8, $0xFFFFF086  }
0x1c: {  	p1 =	slt.u32 s9, $0xF7A;
	s5 =	simm.s32 @!p2 $0x0  }
0x1d: {  	s5 =	simm.s32 @p1 $0x1;
	p0 =	seq.s32 s7, s2  }
0x1e: {  	s7 =	smul.u32 @!p0 $0xF7A, s2;
	p2 =	seq.s32 @!p0 s5, $0x0  }
0x1f: {  	s9 =	smul.u32 $0xF7A, s1;
	s8 =	simm.s32 @!p0 $0x1BF5;
	p2 =	por !p2, p0  }
0x20: {  	[sflag:s8] =	ssyncset.s32 @!p0 $0xFFFFF086;
	s6 =	sadd.s32 @!p0 s3, s7;
	s7 =	simm.s32 @!p0 $0x108  }
0x21: {  	s3 =	sadd.s32 s3, s9;
	s6 =	sadd.s32 @!p0 $0x88, s6;
	s7 =	simm.s32 @p2 $0x1082  }
0x22: {  	[simem:s7], [sflag:s8] =	dma.local @!p0 [hbm:s6], $0xF7A  }
0x23: {  	s9 =	sor.u32 $0xD0000000, s2;
	s6 =	simm.s32 $0x108;
	_ =	swait.ge @!p0 [sflag:s8], $0x0  }
0x24: {  	s3 =	sadd.s32 $0x88, s3;
	s6 =	simm.s32 @!p1 $0x1082;
	[sflag:s4] =	ssyncset.s32 $0xFFFFF086  }
0x25: {  	[simem:s6], [sflag:s4] =	dma.local [hbm:s3], $0xF7A  }
0x26: {  	[smem:$0x3F9B] =	sst s1;
	(tag) =	ssettag s2;
	_ =	strace s9  }
0x27: {  	s1 =	sld [smem:$0x3FAB]  }
0x28: {  	s2 =	sld [smem:$0x3FAC]  }
0x29: {  	s4 =	sld [smem:$0x3FAE]  }
0x2a: {  	p0 =	seq.s32 s5, $0x0;
	s5 =	sld [smem:$0x3FAF]  }
0x2b: {  	s6 =	sld [smem:$0x3FB0]  }
0x2c: {  	s7 =	sld [smem:$0x3FB1]  }
0x2d: {  	s3 =	simm.s32 $0x108;
	s8 =	sld [smem:$0x3FB2]  }
0x2e: {  	s3 =	simm.s32 @!p0 $0x1082;
	s9 =	sld [smem:$0x3FB3]  }
0x2f: {  	lr =	sadd.s32 s0, s3;
	s0 =	sld [smem:$0x3FAA]  }
0x30: {  	s3 =	sld [smem:$0x3FAD]  }
0x31: {  	[smem:$0x3FB6] =	sst s10  }
0x32: {  	s10 =	sld [smem:$0x3FB4];
	_ =	sdelay $0x3  }
0x33: {  	p0 =	seq.s32 s10, $0x1;
	s10 =	sld [smem:$0x3FB6];
	_ =	sdelay $0x3  }
0x34: {  	[smem:$0x3FB6] =	sst s10  }
0x35: {  	s10 =	sld [smem:$0x3FB5];
	_ =	sdelay $0x3  }
0x36: {  	p1 =	seq.s32 s10, $0x1;
	s10 =	sld [smem:$0x3FB6];
	_ =	sdelay $0x3  }
0x37: {  	[smem:$0x3FB6] =	sst s10  }
0x38: {  	s10 =	sld [smem:$0x3FB7]  }
0x39: {  	_ = 	snop;
	(pc) =	sbr.ind lr, $3  }
0x3a: {  	_ = 	snop  }
0x3b: {  	_ = 	snop  }
0x3c: {  	p2 =	seq.s32 s10, $0x1;
	s10 =	sld [smem:$0x3FB6]  }
0x3d: {  	_ =	shalt  }
0x3e: {  	_ =	shalt  }
0x3f: {  	_ =	shalt  }
0x40: {  	_ =	shalt  }
0x41: {  	_ =	shalt  }
0x42: {  	_ =	shalt  }
0x43: {  	_ =	shalt  }
0x44: {  	_ =	shalt  }
0x45: {  	_ =	shalt  }
0x46: {  	_ =	shalt  }
0x47: {  	_ =	shalt  }
0x48: {  	_ =	shalt  }
0x49: {  	_ =	shalt  }
0x4a: {  	_ =	shalt  }
0x4b: {  	_ =	shalt  }
0x4c: {  	_ =	shalt  }
0x4d: {  	_ =	shalt  }
0x4e: {  	_ =	shalt  }
0x4f: {  	_ =	shalt  }
0x50: {  	_ =	shalt  }
0x51: {  	_ =	shalt  }
0x52: {  	_ =	shalt  }
0x53: {  	_ =	shalt  }
0x54: {  	_ =	shalt  }
0x55: {  	_ =	shalt  }
0x56: {  	_ =	shalt  }
0x57: {  	_ =	shalt  }
0x58: {  	_ =	shalt  }
0x59: {  	_ =	shalt  }
0x5a: {  	_ =	shalt  }
0x5b: {  	_ =	shalt  }
0x5c: {  	_ =	shalt  }
0x5d: {  	_ =	shalt  }
0x5e: {  	_ =	shalt  }
0x5f: {  	_ =	shalt  }
0x60: {  	_ =	shalt  }
0x61: {  	_ =	shalt  }
0x62: {  	_ =	shalt  }
0x63: {  	_ =	shalt  }
0x64: {  	_ =	shalt  }
0x65: {  	_ =	shalt  }
0x66: {  	_ =	shalt  }
0x67: {  	_ =	shalt  }
0x68: {  	_ =	shalt  }
0x69: {  	_ =	shalt  }
0x6a: {  	_ =	shalt  }
0x6b: {  	_ =	shalt  }
0x6c: {  	_ =	shalt  }
0x6d: {  	_ =	shalt  }
0x6e: {  	_ =	shalt  }
0x6f: {  	_ =	shalt  }
0x70: {  	_ =	shalt  }
0x71: {  	_ =	shalt  }
0x72: {  	_ =	shalt  }
0x73: {  	_ =	shalt  }
0x74: {  	_ =	shalt  }
0x75: {  	_ =	shalt  }
0x76: {  	_ =	shalt  }
0x77: {  	_ =	shalt  }
0x78: {  	_ =	shalt  }
0x79: {  	_ =	shalt  }
0x7a: {  	_ =	shalt  }
0x7b: {  	_ =	shalt  }
0x7c: {  	_ =	shalt  }
0x7d: {  	_ =	shalt  }
0x7e: {  	_ =	shalt  }
0x7f: {  	_ =	shalt  }
0x80: {  	_ =	shalt  }
0x81: {  	_ =	shalt  }
0x82: {  	_ =	shalt  }
0x83: {  	_ =	shalt  }
0x84: {  	_ =	shalt  }
0x85: {  	_ =	shalt  }
0x86: {  	_ =	shalt  }
0x87: {  	_ =	shalt  }
.Lfunc_end0:
.L_simem_size_0:
called_computation.2_lowered:
.L_overlay_start_0:
0x88: {  	s2 =	sld [smem:$0x3FD9]  }
0x89: {  	s3 =	sld [smem:$0x3FFE];
	_ =	sdelay $0x1  }
0x8a: {  	s1 =	srdreg.scid  }
0x8b: {  	s0 =	sand.u32 $0x1, s1  }
0x8c: {  	s17 =	sshll.u32 s0, $0xA;
	s2 =	sadd.s32 s3, s2  }
0x8d: {  	s2 =	sadd.s32 s2, s17  }
0x8e: {  	[smem:$0x3FC2] =	sst s2  }
0x8f: {  	_ = 	snop  }
0x90: {  	s2 =	sld [smem:$0x3FD0];
	(tm) =	ssettm $0x1  }
0x91: {  	s18 =	sld [smem:$0x3FFB];
	_ =	sdelay $0x3  }
0x92: {  	_ =	strace s18  }
0x93: {  	s3 =	sld [smem:$0x3FFC];
	_ =	sdelay $0x3  }
0x94: {  	_ =	strace s3  }
0x95: {  	s3 =	sld [smem:$0x3FFD];
	_ =	sdelay $0x3  }
0x96: {  	_ =	strace s3  }
0x97: {  	_ =	strace $0x8FFFFFFF  }
0x98: {  	s19 =	sld [smem:$0x3FDB];
	_ =	sdelay $0x1  }
0x99: {  	s4 =	simm.s32 $_scs_section_size  }
0x9a: {  	s5 =	simm.s32 $_size__tile_overlayer_lowered;
	s6 =	simm.s32 $_tile_overlayer_lowered  }
0x9b: {  	s22 =	simm.s32 $0x1BFF;
	s21 =	sshll.u32 s6, $0x1;
	s3 =	sadd.s32 s4, s19  }
0x9c: {  	s7 =	simm.s32 $0x0;
	s20 =	sshll.u32 s5, $0x1;
	s5 =	sadd.s32 s21, s3  }
0x9d: {  	[timem:s7], [sflag:s22] =	dma.local [hbm:s5], s20  }
0x9e: {  	_ =	swait.ge [sflag:s22], s20  }
0x9f: {  	s4 =	ssub.s32 $0x0, s20;
	[sflag:s22] =	ssyncset.done $0x0  }
0xa0: {  	[sflag:s22] =	ssyncadd.s32 s4;
	_ =	sdelay $0x1  }
0xa1: {  	s23 =	simm.s32 $0x1B8B  }
0xa2: {  	_ =	swait.ge [sflag:s23], $0x1  }
0xa3: {  	[sflag:s23] =	ssyncset.done $0x0  }
0xa4: {  	s25 =	simm.s32 $0x1B8E;
	s24 =	sld [smem:$0x3FFE];
	[sflag:s23] =	ssyncadd.s32 $0xFFFFFFFF  }
0xa5: {  	s26 =	simm.s32 $execute0_lowered;
	[smem:$0x3FD2] =	sst s25  }
0xa6: {  	s5 =	sshll.u32 s26, $0x1;
	_ =	strace $0x8000004C;
	[dreg:$0x1] =	wrdreg $0xFFFFFFFF  }
0xa7: {  	s28 =	simm.s32 $_size_execute0_lowered;
	s3 =	sadd.s32 s3, s5;
	[dreg:$0x0] =	wrdreg $0x0  }
0xa8: {  	s5 =	sshll.u32 s28, $0x1;
	[dreg:$0x2] =	wrdreg s3  }
0xa9: {  	[dreg:$0x3] =	wrdreg s5  }
0xaa: {  	[dreg:$0x4] =	wrdreg $0xC0  }
0xab: {  	_ =	task [dreg:s7], $0x5FFFF  }
0xac: {  	[dreg:$0x1] =	wrdreg $0xFFFFFFFF  }
0xad: {  	[dreg:$0x0] =	wrdreg $0x60  }
0xae: {  	[dreg:$0x2] =	wrdreg s2  }
0xaf: {  	[dreg:$0x3] =	wrdreg s24  }
0xb0: {  	[dreg:$0x4] =	wrdreg $0x90000  }
0xb1: {  	[dreg:$0x5] =	wrdreg $0x9  }
0xb2: {  	_ =	task.clear_ibuf [dreg:s7], $0x6FFFF;
	_ =	strace $0x9000004C  }
0xb3: {  	s29 =	simm.s32 $0x9;
	_ =	strace $0x8000004E  }
0xb4: {  	_ =	swait.ge [sflag:s29], $0x1  }
0xb5: {  	[sflag:s29] =	ssyncadd.s32 $0xFFFFFFFF  }
0xb6: {  	_ =	strace $0x9000004E  }
0xb7: {  	_ =	sfence  }
0xb8: {  	s30 =	sld [smem:$0x0];
	_ =	sdelay $0x2  }
0xb9: {  	s31 =	sshll.u32 s1, $0xD;
	s1 =	sshrl.u32 s1, $0x2  }
0xba: {  	s3 =	sand.u32 $0x4000, s31;
	s1 =	sadd.s32 s1, s30  }
0xbb: {  	s0 =	sor.u32 s3, s0;
	s1 =	sshll.u32 s1, $0x11  }
0xbc: {  	s0 =	sor.u32 s1, s0  }
0xbd: {  	s0 =	sadd.s32 $0x8F2B, s0  }
0xbe: {  	[sflag:s0] =	ssyncadd.remote.s32 $0x1  }
0xbf: {  	_ =	sfence.sel $0xFFFF  }
0xc0: {  	[dreg:$0x0] =	wrdreg $0xFFFFFFFF;
	(pc) =	sbr.abs _section_cstart, $3  }
0xc1: {  	[dreg:$0x1] =	wrdreg $0xFFFFFFFF  }
0xc2: {  	_ =	task.clear_ibuf [dreg:s7], $0x2FFFF;
	_ =	strace $0x9FFFFFFF  }
0xc3: {  	(tm) =	ssettm $0x7FFFFFFF  }
tec
execute0_lowered:
.L_overlay_start_1:
0x0: {  	(tag) =	ssettag $0x1  }
0x1: {  	s1 =	rddreg [dreg:$0x0]  }
0x2: {  	s6 =	rddreg [dreg:$0x1]  }
0x3: {  	s2 =	rddreg [dreg:$0x2]  }
0x4: {  	s3 =	srdreg.scid;
	s0 =	rddreg [dreg:$0x3]  }
0x5: {  	s4 =	simm.s32 $0x0;
	s15 =	simm.s32 $0x2;
	s16 =	simm.s32 $0x2800  }
0x6: {  	s17 =	simm.s32 $0x7D;
	s5 =	sand.u32 $0x1, s3;
	s3 =	stileid.u32  }
0x7: {  	s18 =	simm.s32 $0x1;
	[smem:$0x7FF] =	sst s4;
	s8 =	smul.u32 $0x50000, s3  }
0x8: {  	s7 =	sshll.u32 s5, $0x4;
	_ =	strace $0x8000004D;
	s9 =	smul.u32 $0x28000, s5  }
0x9: {  	s10 =	ssub.s32 $0x2, s5;
	s20 =	smul.u32 $0x2800, s3;
	s7 =	sor.u32 s3, s7  }
0xa: {  	s21 =	sshll.u32 s3, $0x6;
	s31 =	sshrl.u32 s10, $0x1;
	s7 =	smul.u32 $0x500, s7  }
0xb: {  	s30 =	sshrl.u32 s8, $0x2;
	s13 =	sadd.s32 s9, s6;
	s14 =	ssub.s32 s10, s31  }
0xc: {  	s5 =	sadd.s32 s30, s2;
	s19 =	sadd.s32 $0x66C00, s13;
	s13 =	smax.u32 s14, $0x1  }
0xd: {  	s14 =	simm.s32 $0x5000;
	s12 =	sadd.s32 s7, s6;
	s6 =	sadd.s32 $0x3C00, s5  }
0xe: {  	s7 =	sadd.s32 $0x7800, s5;
	s8 =	sadd.s32 $0xB400, s5;
	s9 =	sadd.s32 $0xF000, s5  }
0xf: {  	s10 =	sadd.s32 $0x12C00, s5;
	s19 =	sadd.s32 s20, s19;
	s20 =	sor.u32 $0x1C02, s21  }
0x10: {  	v0 =	vimm.f32 $0.0e+00;
	s21 =	sshrl.u32 s5, $0x3;
	s11 =	sadd.s32 $0x5CC00, s12;
	s12 =	sadd.s32 $0x2C00, s12  }
.LBB2_1:
0x11: {  	s22 =	simm.s32 $0x0;
	s23 =	simm.s32 $0x200  }
.LBB2_2:
0x12: {  	p0 =	sne.s32 s23, $0xF800;
	[tilespmem:s22+$0x5070] =	vst v0  }
0x13: {  	[tilespmem:s22+$0x5000] =	vst v0  }
0x14: {  	[tilespmem:s22+$0x5010] =	vst v0  }
.Ltmp0:
0x15: {  	[tilespmem:s22+$0x5020] =	vst v0;
	(pc) =	sbr.rel @p0 .LBB2_2-.Ltmp0, $4  }
0x16: {  	[tilespmem:s22+$0x5030] =	vst v0  }
0x17: {  	[tilespmem:s22+$0x5040] =	vst v0  }
0x18: {  	[tilespmem:s22+$0x5050] =	vst v0  }
0x19: {  	[tilespmem:s22+$0x5060] =	vst v0;
	s22 =	sshra.s32 s23, $0x2;
	s23 =	sadd.s32 $0x200, s23  }
0x1a: {  	[tilespmem:s22+$0x5070] =	vst v0  }
0x1b: {  	[tilespmem:s22+$0x5000] =	vst v0  }
0x1c: {  	[tilespmem:s22+$0x5010] =	vst v0  }
0x1d: {  	[tilespmem:s22+$0x5020] =	vst v0  }
0x1e: {  	[tilespmem:s22+$0x5030] =	vst v0  }
0x1f: {  	[tilespmem:s22+$0x5040] =	vst v0  }
0x20: {  	[tilespmem:s22+$0x5050] =	vst v0  }
0x21: {  	[tilespmem:s22+$0x5060] =	vst v0  }
0x22: {  	[spmem:s5] =	stream.linear.scatter [tilespmem:s14], [sflag:$0x2], $0x3C00, $0x38;
	[tilespmem:$0x1D000] =	vst v63  }
0x23: {  	_ =	swait.ge [sflag:s15], $0x3C00  }
0x24: {  	[sflag:s15] =	ssyncset.done $0x0  }
0x25: {  	[sflag:s15] =	ssyncadd.s32 $0xFFFFC400  }
0x26: {  	[spmem:s6] =	stream.linear.scatter [tilespmem:s14], [sflag:$0x2], $0x3C00, $0x38;
	[tilespmem:$0x1D000] =	vst v63  }
0x27: {  	_ =	swait.ge [sflag:s15], $0x3C00  }
0x28: {  	[sflag:s15] =	ssyncset.done $0x0  }
0x29: {  	[sflag:s15] =	ssyncadd.s32 $0xFFFFC400  }
0x2a: {  	[spmem:s7] =	stream.linear.scatter [tilespmem:s14], [sflag:$0x2], $0x3C00, $0x38;
	[tilespmem:$0x1D000] =	vst v63  }
0x2b: {  	_ =	swait.ge [sflag:s15], $0x3C00  }
0x2c: {  	[sflag:s15] =	ssyncset.done $0x0  }
0x2d: {  	[sflag:s15] =	ssyncadd.s32 $0xFFFFC400  }
0x2e: {  	[spmem:s8] =	stream.linear.scatter [tilespmem:s14], [sflag:$0x2], $0x3C00, $0x38;
	[tilespmem:$0x1D000] =	vst v63  }
0x2f: {  	_ =	swait.ge [sflag:s15], $0x3C00  }
0x30: {  	[sflag:s15] =	ssyncset.done $0x0  }
0x31: {  	[sflag:s15] =	ssyncadd.s32 $0xFFFFC400  }
0x32: {  	[spmem:s9] =	stream.linear.scatter [tilespmem:s14], [sflag:$0x2], $0x3C00, $0x38;
	[tilespmem:$0x1D000] =	vst v63  }
0x33: {  	_ =	swait.ge [sflag:s15], $0x3C00  }
0x34: {  	[sflag:s15] =	ssyncset.done $0x0  }
0x35: {  	[sflag:s15] =	ssyncadd.s32 $0xFFFFC400  }
0x36: {  	[spmem:s10] =	stream.linear.scatter [tilespmem:s14], [sflag:$0x2], $0x1400, $0x38;
	[tilespmem:$0x1D000] =	vst v63  }
0x37: {  	_ =	swait.ge [sflag:s15], $0x1400  }
0x38: {  	[sflag:s15] =	ssyncset.done $0x0  }
0x39: {  	s29 =	simm.s32 $0x0;
	[sflag:s15] =	ssyncadd.s32 $0xFFFFEC00  }
0x3a: {  	[tilespmem:s29], [sflag:$0x2] =	stream.linear.gather [hbm4b:s11+s29], $0x2800, $0x38;
	[tilespmem:$0x1D000] =	vst v63  }
0x3b: {  	_ =	swait.ge [sflag:s15], $0x2800  }
0x3c: {  	[sflag:s15] =	ssyncset.done $0x0  }
0x3d: {  	[sflag:s15] =	ssyncadd.s32 $0xFFFFD800  }
0x3e: {  	[tilespmem:s16], [sflag:$0x2] =	stream.linear.gather [hbm4b:s12+s29], $0x2800, $0x38;
	[tilespmem:$0x1D000] =	vst v63  }
0x3f: {  	_ =	swait.ge [sflag:s15], $0x2800  }
0x40: {  	[sflag:s15] =	ssyncset.done $0x0  }
0x41: {  	[sflag:s15] =	ssyncadd.s32 $0xFFFFD800  }
0x42: {  	s30 =	simm.s32 $0x0;
	[bflag:$0x0] =	sbarrier.arrive $0xFFFF  }
0x43: {  	[tilespmem:s14], [sflag:$0x1] =	stream.indirect.gather [hbm4b:s1+s17], $0x80, s30, s17, $0xb8;
	[tilespmem:$0x1D000] =	vst v63  }
0x44: {  	_ =	swait.ge [sflag:s18], $0x3E80  }
0x45: {  	[sflag:s18] =	ssyncset.done $0x0  }
0x46: {  	s31 =	simm.s32 $0x2800;
	[sflag:s18] =	ssyncadd.s32 $0xFFFFC180  }
0x47: {  	[spmem:s2] =	stream.indirect.scatter.add.f32 [tilespmem:s14], [sflag:$0x2], $0x80, s31, s17, $0xb8;
	[tilespmem:$0x1D000] =	vst v63  }
0x48: {  	_ =	swait.ge [sflag:s15], $0x3E80  }
0x49: {  	s22 =	simm.s32 $0x200;
	s23 =	simm.s32 $0x400;
	[sflag:s15] =	ssyncset.done $0x0  }
.LBB2_4:
0x4a: {  	s24 =	sshra.s32 s22, $0x2  }
0x4b: {  	[sflag:s15] =	ssyncadd.s32 $0xFFFFC180;
	s22 =	smov.u32 s23;
	s25 =	sadd.s32 $0x200, s23  }
0x4c: {  	[tilespmem:s14], [sflag:$0x1] =	stream.indirect.gather [hbm4b:s1+s17], $0x80, s24, s17, $0xb8;
	[tilespmem:$0x1D000] =	vst v63  }
0x4d: {  	p0 =	sne.s32 s23, $0x9E00;
	_ =	swait.ge [sflag:s18], $0x3E80  }
.Ltmp1:
0x4e: {  	[sflag:s18] =	ssyncset.done $0x0;
	(pc) =	sbr.rel @p0 .LBB2_4-.Ltmp1, $4  }
0x4f: {  	s23 =	sadd.s32 $0x2800, s24;
	[sflag:s18] =	ssyncadd.s32 $0xFFFFC180  }
0x50: {  	[spmem:s2] =	stream.indirect.scatter.add.f32 [tilespmem:s14], [sflag:$0x2], $0x80, s23, s17, $0xb8;
	[tilespmem:$0x1D000] =	vst v63  }
0x51: {  	_ =	swait.ge [sflag:s15], $0x3E80  }
0x52: {  	s23 =	smov.u32 s25;
	[sflag:s15] =	ssyncset.done $0x0  }
0x53: {  	s22 =	sshra.s32 s22, $0x2;
	[sflag:s15] =	ssyncadd.s32 $0xFFFFC180  }
0x54: {  	[tilespmem:s14], [sflag:$0x1] =	stream.indirect.gather [hbm4b:s1+s17], $0x80, s22, s17, $0xb8;
	[tilespmem:$0x1D000] =	vst v63  }
0x55: {  	_ =	swait.ge [sflag:s18], $0x3E80  }
0x56: {  	[sflag:s18] =	ssyncset.done $0x0  }
0x57: {  	s22 =	sadd.s32 $0x2800, s22;
	[sflag:s18] =	ssyncadd.s32 $0xFFFFC180  }
0x58: {  	[spmem:s2] =	stream.indirect.scatter.add.f32 [tilespmem:s14], [sflag:$0x2], $0x80, s22, s17, $0xb8;
	[tilespmem:$0x1D000] =	vst v63  }
0x59: {  	_ =	swait.ge [sflag:s15], $0x3E80  }
0x5a: {  	s4 =	sadd.s32 $0x1, s4;
	[sflag:s15] =	ssyncset.done $0x0  }
0x5b: {  	p0 =	sne.s32 s4, s13;
	[sflag:s15] =	ssyncadd.s32 $0xFFFFC180  }
.Ltmp2:
0x5c: {  	[bflag:$0x0] =	sbarrier.arrive $0xFFFF;
	(pc) =	sbr.rel @p0 .LBB2_1-.Ltmp2, $4  }
0x5d: {  	[hbm:s19], [sflag:s20] =	dma.local [spmem:s21], $0x2800  }
0x5e: {  	_ =	swait.ge [sflag:s15], $0x2800  }
0x5f: {  	[sflag:s15] =	ssyncset.done $0x0  }
0x60: {  	[sflag:s15] =	ssyncadd.s32 $0xFFFFD800  }
0x61: {  	_ =	sfence.sel $0x180000  }
0x62: {  	[bflag:$0x0] =	sbarrier.arrive $0xFFFF  }
0x63: {  	p0 =	sne.s32 s3, $0x0;
	_ =	strace $0x9000004D  }
0x64: {  	s0 =	sadd.s32 @!p0 $0x100000, s0;
	[bflag:$0x2] =	sbarrier.arrive $0xFFFF  }
0x65: {  	[sflag:s0] =	ssyncadd.tile.s32 @!p0 $0x1;
	_ =	shalt  }
.Lfunc_end2:
_tile_overlayer_lowered:
.L_overlay_start_2:
0x66: {  	(tag) =	ssettag $0x2  }
0x67: {  	s0 =	rddreg [dreg:$0x0];
	s2 =	stileid.u32  }
0x68: {  	s1 =	rddreg [dreg:$0x1];
	p0 =	sne.s32 s2, $0x0  }
0x69: {  	s3 =	rddreg [dreg:$0x2];
	[bflag:$0x3] =	sbarrier.arrive $0xFFFF;
	s2 =	simm.s32 @!p0 $0x1C02  }
0x6a: {  	[timem:s3], [sflag:s2] =	dma.local @!p0 [hbm:s0], s1  }
0x6b: {  	s0 =	simm.s32 @!p0 $0x2  }
0x6c: {  	_ =	swait.ge @!p0 [sflag:s0], s1  }
0x6d: {  	s1 =	ssub.s32 @!p0 $0x0, s1;
	[sflag:s0] =	ssyncset.done @!p0 $0x0  }
0x6e: {  	[sflag:s0] =	ssyncadd.s32 @!p0 s1  }
0x6f: {  	[bflag:$0x3] =	sbarrier.arrive $0xFFFF  }
0x70: {  	_ =	shalt  }

// kernel: kernel.8.cloned.1.call-start
scs
__scs_entry_jumppad:
0x0: {  	(pc) =	sbr.rel $0x88, $3  }
0x1: {  	(tag) =	ssettag $0x0;
	lr =	simm.s32 $0x1  }
0x2: {  	[smem:$0x3F9B] =	sst lr;
	_ =	strace $0xD0000000  }
0x3: {  	_ = 	snop  }
0x4: {  	_ = 	snop  }
0x5: {  	_ = 	snop  }
0x6: {  	_ = 	snop  }
0x7: {  	_ = 	snop  }
__scs_overlays_trampoline_lowered:
0x8: {  	[smem:$0x3FAA] =	sst s0  }
0x9: {  	[smem:$0x3FAB] =	sst s1  }
0xa: {  	[smem:$0x3FAC] =	sst s2  }
0xb: {  	[smem:$0x3FAD] =	sst s3  }
0xc: {  	[smem:$0x3FAE] =	sst s4  }
0xd: {  	[smem:$0x3FAF] =	sst s5  }
0xe: {  	[smem:$0x3FB0] =	sst s6  }
0xf: {  	[smem:$0x3FB1] =	sst s7  }
0x10: {  	[smem:$0x3FB2] =	sst s8  }
0x11: {  	[smem:$0x3FB3] =	sst s9;
	s0 =	simm.s32 @!p0 $0x0  }
0x12: {  	s1 =	sld [smem:$0x3F99];
	s0 =	simm.s32 @p0 $0x1  }
0x13: {  	[smem:$0x3FB4] =	sst s0;
	s0 =	simm.s32 @!p1 $0x0  }
0x14: {  	s2 =	sld [smem:$0x3F98];
	s0 =	simm.s32 @p1 $0x1  }
0x15: {  	[smem:$0x3FB5] =	sst s0;
	s0 =	simm.s32 @!p2 $0x0  }
0x16: {  	s3 =	sld [smem:$0x3FDB];
	s0 =	simm.s32 @p2 $0x1  }
0x17: {  	s4 =	simm.s32 $0x1BF5;
	[smem:$0x3FB7] =	sst s0  }
0x18: {  	s0 =	sld [smem:$0x3F9A];
	_ =	swait.ge [sflag:s4], $0x0  }
0x19: {  	s7 =	sld [smem:$0x3F9B]  }
0x1a: {  	s8 =	sadd.s32 $0xFFFFE003, lr  }
0x1b: {  	s9 =	sadd.s32 $0xFFFFFEF7, lr;
	s5 =	simm.s32 $0xFFFFFFFF;
	p2 =	slt.u32 s8, $0xFFFFF086  }
0x1c: {  	p1 =	slt.u32 s9, $0xF7A;
	s5 =	simm.s32 @!p2 $0x0  }
0x1d: {  	s5 =	simm.s32 @p1 $0x1;
	p0 =	seq.s32 s7, s2  }
0x1e: {  	s7 =	smul.u32 @!p0 $0xF7A, s2;
	p2 =	seq.s32 @!p0 s5, $0x0  }
0x1f: {  	s9 =	smul.u32 $0xF7A, s1;
	s8 =	simm.s32 @!p0 $0x1BF5;
	p2 =	por !p2, p0  }
0x20: {  	[sflag:s8] =	ssyncset.s32 @!p0 $0xFFFFF086;
	s6 =	sadd.s32 @!p0 s3, s7;
	s7 =	simm.s32 @!p0 $0x108  }
0x21: {  	s3 =	sadd.s32 s3, s9;
	s6 =	sadd.s32 @!p0 $0x88, s6;
	s7 =	simm.s32 @p2 $0x1082  }
0x22: {  	[simem:s7], [sflag:s8] =	dma.local @!p0 [hbm:s6], $0xF7A  }
0x23: {  	s9 =	sor.u32 $0xD0000000, s2;
	s6 =	simm.s32 $0x108;
	_ =	swait.ge @!p0 [sflag:s8], $0x0  }
0x24: {  	s3 =	sadd.s32 $0x88, s3;
	s6 =	simm.s32 @!p1 $0x1082;
	[sflag:s4] =	ssyncset.s32 $0xFFFFF086  }
0x25: {  	[simem:s6], [sflag:s4] =	dma.local [hbm:s3], $0xF7A  }
0x26: {  	[smem:$0x3F9B] =	sst s1;
	(tag) =	ssettag s2;
	_ =	strace s9  }
0x27: {  	s1 =	sld [smem:$0x3FAB]  }
0x28: {  	s2 =	sld [smem:$0x3FAC]  }
0x29: {  	s4 =	sld [smem:$0x3FAE]  }
0x2a: {  	p0 =	seq.s32 s5, $0x0;
	s5 =	sld [smem:$0x3FAF]  }
0x2b: {  	s6 =	sld [smem:$0x3FB0]  }
0x2c: {  	s7 =	sld [smem:$0x3FB1]  }
0x2d: {  	s3 =	simm.s32 $0x108;
	s8 =	sld [smem:$0x3FB2]  }
0x2e: {  	s3 =	simm.s32 @!p0 $0x1082;
	s9 =	sld [smem:$0x3FB3]  }
0x2f: {  	lr =	sadd.s32 s0, s3;
	s0 =	sld [smem:$0x3FAA]  }
0x30: {  	s3 =	sld [smem:$0x3FAD]  }
0x31: {  	[smem:$0x3FB6] =	sst s10  }
0x32: {  	s10 =	sld [smem:$0x3FB4];
	_ =	sdelay $0x3  }
0x33: {  	p0 =	seq.s32 s10, $0x1;
	s10 =	sld [smem:$0x3FB6];
	_ =	sdelay $0x3  }
0x34: {  	[smem:$0x3FB6] =	sst s10  }
0x35: {  	s10 =	sld [smem:$0x3FB5];
	_ =	sdelay $0x3  }
0x36: {  	p1 =	seq.s32 s10, $0x1;
	s10 =	sld [smem:$0x3FB6];
	_ =	sdelay $0x3  }
0x37: {  	[smem:$0x3FB6] =	sst s10  }
0x38: {  	s10 =	sld [smem:$0x3FB7]  }
0x39: {  	_ = 	snop;
	(pc) =	sbr.ind lr, $3  }
0x3a: {  	_ = 	snop  }
0x3b: {  	_ = 	snop  }
0x3c: {  	p2 =	seq.s32 s10, $0x1;
	s10 =	sld [smem:$0x3FB6]  }
0x3d: {  	_ =	shalt  }
0x3e: {  	_ =	shalt  }
0x3f: {  	_ =	shalt  }
0x40: {  	_ =	shalt  }
0x41: {  	_ =	shalt  }
0x42: {  	_ =	shalt  }
0x43: {  	_ =	shalt  }
0x44: {  	_ =	shalt  }
0x45: {  	_ =	shalt  }
0x46: {  	_ =	shalt  }
0x47: {  	_ =	shalt  }
0x48: {  	_ =	shalt  }
0x49: {  	_ =	shalt  }
0x4a: {  	_ =	shalt  }
0x4b: {  	_ =	shalt  }
0x4c: {  	_ =	shalt  }
0x4d: {  	_ =	shalt  }
0x4e: {  	_ =	shalt  }
0x4f: {  	_ =	shalt  }
0x50: {  	_ =	shalt  }
0x51: {  	_ =	shalt  }
0x52: {  	_ =	shalt  }
0x53: {  	_ =	shalt  }
0x54: {  	_ =	shalt  }
0x55: {  	_ =	shalt  }
0x56: {  	_ =	shalt  }
0x57: {  	_ =	shalt  }
0x58: {  	_ =	shalt  }
0x59: {  	_ =	shalt  }
0x5a: {  	_ =	shalt  }
0x5b: {  	_ =	shalt  }
0x5c: {  	_ =	shalt  }
0x5d: {  	_ =	shalt  }
0x5e: {  	_ =	shalt  }
0x5f: {  	_ =	shalt  }
0x60: {  	_ =	shalt  }
0x61: {  	_ =	shalt  }
0x62: {  	_ =	shalt  }
0x63: {  	_ =	shalt  }
0x64: {  	_ =	shalt  }
0x65: {  	_ =	shalt  }
0x66: {  	_ =	shalt  }
0x67: {  	_ =	shalt  }
0x68: {  	_ =	shalt  }
0x69: {  	_ =	shalt  }
0x6a: {  	_ =	shalt  }
0x6b: {  	_ =	shalt  }
0x6c: {  	_ =	shalt  }
0x6d: {  	_ =	shalt  }
0x6e: {  	_ =	shalt  }
0x6f: {  	_ =	shalt  }
0x70: {  	_ =	shalt  }
0x71: {  	_ =	shalt  }
0x72: {  	_ =	shalt  }
0x73: {  	_ =	shalt  }
0x74: {  	_ =	shalt  }
0x75: {  	_ =	shalt  }
0x76: {  	_ =	shalt  }
0x77: {  	_ =	shalt  }
0x78: {  	_ =	shalt  }
0x79: {  	_ =	shalt  }
0x7a: {  	_ =	shalt  }
0x7b: {  	_ =	shalt  }
0x7c: {  	_ =	shalt  }
0x7d: {  	_ =	shalt  }
0x7e: {  	_ =	shalt  }
0x7f: {  	_ =	shalt  }
0x80: {  	_ =	shalt  }
0x81: {  	_ =	shalt  }
0x82: {  	_ =	shalt  }
0x83: {  	_ =	shalt  }
0x84: {  	_ =	shalt  }
0x85: {  	_ =	shalt  }
0x86: {  	_ =	shalt  }
0x87: {  	_ =	shalt  }
.Lfunc_end0:
.L_simem_size_0:
called_computation_lowered:
.L_overlay_start_0:
0x88: {  	s2 =	sld [smem:$0x3FD9]  }
0x89: {  	s3 =	sld [smem:$0x3FFE];
	_ =	sdelay $0x1  }
0x8a: {  	s1 =	srdreg.scid  }
0x8b: {  	s0 =	sand.u32 $0x1, s1  }
0x8c: {  	s16 =	sshll.u32 s0, $0xA;
	s2 =	sadd.s32 s3, s2  }
0x8d: {  	s2 =	sadd.s32 s2, s16  }
0x8e: {  	[smem:$0x3FC2] =	sst s2  }
0x8f: {  	_ = 	snop  }
0x90: {  	(tm) =	ssettm $0x1  }
0x91: {  	s17 =	sld [smem:$0x3FFB];
	_ =	sdelay $0x3  }
0x92: {  	_ =	strace s17  }
0x93: {  	s2 =	sld [smem:$0x3FFC];
	_ =	sdelay $0x3  }
0x94: {  	_ =	strace s2  }
0x95: {  	s2 =	sld [smem:$0x3FFD];
	_ =	sdelay $0x3  }
0x96: {  	_ =	strace s2  }
0x97: {  	_ =	strace $0x8FFFFFFF  }
0x98: {  	s18 =	sld [smem:$0x3FDB];
	_ =	sdelay $0x1  }
0x99: {  	s19 =	simm.s32 $_scs_section_size  }
0x9a: {  	s4 =	simm.s32 $_size__tile_overlayer_lowered;
	s5 =	simm.s32 $_tile_overlayer_lowered  }
0x9b: {  	s22 =	simm.s32 $0x1BFF;
	s21 =	sshll.u32 s5, $0x1;
	s2 =	sadd.s32 s19, s18  }
0x9c: {  	s6 =	simm.s32 $0x0;
	s20 =	sshll.u32 s4, $0x1;
	s4 =	sadd.s32 s21, s2  }
0x9d: {  	[timem:s6], [sflag:s22] =	dma.local [hbm:s4], s20  }
0x9e: {  	_ =	swait.ge [sflag:s22], s20  }
0x9f: {  	s3 =	ssub.s32 $0x0, s20;
	[sflag:s22] =	ssyncset.done $0x0  }
0xa0: {  	[sflag:s22] =	ssyncadd.s32 s3;
	_ =	sdelay $0x1  }
0xa1: {  	s23 =	simm.s32 $0x1B8B  }
0xa2: {  	_ =	swait.ge [sflag:s23], $0x1  }
0xa3: {  	[sflag:s23] =	ssyncset.done $0x0  }
0xa4: {  	s25 =	simm.s32 $0x1B8E;
	s24 =	sld [smem:$0x3FFE];
	[sflag:s23] =	ssyncadd.s32 $0xFFFFFFFF  }
0xa5: {  	s26 =	simm.s32 $execute0_lowered;
	[smem:$0x3FD2] =	sst s25  }
0xa6: {  	s4 =	sshll.u32 s26, $0x1;
	_ =	strace $0x80000046;
	[dreg:$0x1] =	wrdreg $0xFFFFFFFF  }
0xa7: {  	s28 =	simm.s32 $_size_execute0_lowered;
	s2 =	sadd.s32 s2, s4;
	[dreg:$0x0] =	wrdreg $0x0  }
0xa8: {  	s4 =	sshll.u32 s28, $0x1;
	[dreg:$0x2] =	wrdreg s2  }
0xa9: {  	[dreg:$0x3] =	wrdreg s4  }
0xaa: {  	[dreg:$0x4] =	wrdreg $0xC0  }
0xab: {  	_ =	task [dreg:s6], $0x5FFFF  }
0xac: {  	[dreg:$0x1] =	wrdreg $0xFFFFFFFF  }
0xad: {  	[dreg:$0x0] =	wrdreg $0x60  }
0xae: {  	[dreg:$0x2] =	wrdreg s24  }
0xaf: {  	[dreg:$0x3] =	wrdreg $0x68000  }
0xb0: {  	[dreg:$0x4] =	wrdreg $0x9  }
0xb1: {  	_ =	task.clear_ibuf [dreg:s6], $0x5FFFF;
	_ =	strace $0x90000046  }
0xb2: {  	s29 =	simm.s32 $0x9;
	_ =	strace $0x80000048  }
0xb3: {  	_ =	swait.ge [sflag:s29], $0x1  }
0xb4: {  	[sflag:s29] =	ssyncadd.s32 $0xFFFFFFFF  }
0xb5: {  	_ =	strace $0x90000048  }
0xb6: {  	_ =	sfence  }
0xb7: {  	s30 =	sld [smem:$0x0];
	_ =	sdelay $0x2  }
0xb8: {  	s31 =	sshll.u32 s1, $0xD;
	s1 =	sshrl.u32 s1, $0x2  }
0xb9: {  	s3 =	sand.u32 $0x4000, s31;
	s1 =	sadd.s32 s1, s30  }
0xba: {  	s0 =	sor.u32 s3, s0;
	s1 =	sshll.u32 s1, $0x11  }
0xbb: {  	s0 =	sor.u32 s1, s0  }
0xbc: {  	s0 =	sadd.s32 $0x8F2B, s0  }
0xbd: {  	[sflag:s0] =	ssyncadd.remote.s32 $0x1  }
0xbe: {  	_ =	sfence.sel $0xFFFF  }
0xbf: {  	[dreg:$0x0] =	wrdreg $0xFFFFFFFF;
	(pc) =	sbr.abs _section_cstart, $3  }
0xc0: {  	[dreg:$0x1] =	wrdreg $0xFFFFFFFF  }
0xc1: {  	_ =	task.clear_ibuf [dreg:s6], $0x2FFFF;
	_ =	strace $0x9FFFFFFF  }
0xc2: {  	(tm) =	ssettm $0x7FFFFFFF  }
0xc3: {  	_ =	shalt  }
tec
execute0_lowered:
.L_overlay_start_1:
0x0: {  	(tag) =	ssettag $0x1  }
0x1: {  	s5 =	rddreg [dreg:$0x0]  }
0x2: {  	s1 =	rddreg [dreg:$0x1]  }
0x3: {  	s2 =	srdreg.scid;
	s0 =	rddreg [dreg:$0x2]  }
0x4: {  	s3 =	simm.s32 $0x0;
	s4 =	sand.u32 $0x1, s2;
	s2 =	stileid.u32  }
0x5: {  	s13 =	simm.s32 $0x1;
	s14 =	simm.s32 $0x7D;
	s7 =	smul.u32 $0x50000, s2  }
0x6: {  	[smem:$0x7FF] =	sst s3;
	s6 =	sshll.u32 s4, $0x4;
	s8 =	smul.u32 $0x28000, s4  }
0x7: {  	_ =	strace $0x80000047;
	s9 =	ssub.s32 $0x2, s4;
	s16 =	smul.u32 $0x2800, s2  }
0x8: {  	s17 =	sshll.u32 s2, $0x6;
	s6 =	sor.u32 s2, s6;
	s31 =	sshrl.u32 s9, $0x1  }
0x9: {  	s6 =	smul.u32 $0x500, s6;
	s30 =	sshrl.u32 s7, $0x2;
	s11 =	sadd.s32 s8, s5  }
0xa: {  	s12 =	ssub.s32 s9, s31;
	s4 =	sadd.s32 s30, s1;
	s15 =	sadd.s32 $0xCC00, s11  }
0xb: {  	s11 =	smax.u32 s12, $0x1;
	s12 =	simm.s32 $0x2800;
	s10 =	sadd.s32 s6, s5  }
0xc: {  	s5 =	sadd.s32 $0x3C00, s4;
	s6 =	sadd.s32 $0x7800, s4;
	s7 =	sadd.s32 $0xB400, s4  }
0xd: {  	s8 =	sadd.s32 $0xF000, s4;
	s9 =	sadd.s32 $0x12C00, s4;
	s15 =	sadd.s32 s16, s15  }
0xe: {  	v0 =	vimm.f32 $0.0e+00;
	v1 =	vimm.f32 $1.000000000e+00;
	s16 =	sor.u32 $0x1C01, s17;
	s17 =	sshrl.u32 s4, $0x3;
	s10 =	sadd.s32 $0x2C00, s10  }
.LBB2_1:
0xf: {  	s18 =	simm.s32 $0x0;
	s19 =	simm.s32 $0x200  }
.LBB2_2:
0x10: {  	p0 =	sne.s32 s19, $0xF800;
	[tilespmem:s18+$0x2870] =	vst v0  }
0x11: {  	[tilespmem:s18+$0x2800] =	vst v0  }
0x12: {  	[tilespmem:s18+$0x2810] =	vst v0  }
.Ltmp0:
0x13: {  	[tilespmem:s18+$0x2820] =	vst v0;
	(pc) =	sbr.rel @p0 .LBB2_2-.Ltmp0, $4  }
0x14: {  	[tilespmem:s18+$0x2830] =	vst v0  }
0x15: {  	[tilespmem:s18+$0x2840] =	vst v0  }
0x16: {  	[tilespmem:s18+$0x2850] =	vst v0  }
0x17: {  	[tilespmem:s18+$0x2860] =	vst v0;
	s18 =	sshra.s32 s19, $0x2;
	s19 =	sadd.s32 $0x200, s19  }
0x18: {  	[tilespmem:s18+$0x2870] =	vst v0  }
0x19: {  	[tilespmem:s18+$0x2800] =	vst v0  }
0x1a: {  	[tilespmem:s18+$0x2810] =	vst v0  }
0x1b: {  	[tilespmem:s18+$0x2820] =	vst v0  }
0x1c: {  	[tilespmem:s18+$0x2830] =	vst v0  }
0x1d: {  	[tilespmem:s18+$0x2840] =	vst v0  }
0x1e: {  	[tilespmem:s18+$0x2850] =	vst v0  }
0x1f: {  	[tilespmem:s18+$0x2860] =	vst v0  }
0x20: {  	[spmem:s4] =	stream.linear.scatter [tilespmem:s12], [sflag:$0x1], $0x3C00, $0x38;
	[tilespmem:$0x1A800] =	vst v63  }
0x21: {  	_ =	swait.ge [sflag:s13], $0x3C00  }
0x22: {  	[sflag:s13] =	ssyncset.done $0x0  }
0x23: {  	[sflag:s13] =	ssyncadd.s32 $0xFFFFC400  }
0x24: {  	[spmem:s5] =	stream.linear.scatter [tilespmem:s12], [sflag:$0x1], $0x3C00, $0x38;
	[tilespmem:$0x1A800] =	vst v63  }
0x25: {  	_ =	swait.ge [sflag:s13], $0x3C00  }
0x26: {  	[sflag:s13] =	ssyncset.done $0x0  }
0x27: {  	[sflag:s13] =	ssyncadd.s32 $0xFFFFC400  }
0x28: {  	[spmem:s6] =	stream.linear.scatter [tilespmem:s12], [sflag:$0x1], $0x3C00, $0x38;
	[tilespmem:$0x1A800] =	vst v63  }
0x29: {  	_ =	swait.ge [sflag:s13], $0x3C00  }
0x2a: {  	[sflag:s13] =	ssyncset.done $0x0  }
0x2b: {  	[sflag:s13] =	ssyncadd.s32 $0xFFFFC400  }
0x2c: {  	[spmem:s7] =	stream.linear.scatter [tilespmem:s12], [sflag:$0x1], $0x3C00, $0x38;
	[tilespmem:$0x1A800] =	vst v63  }
0x2d: {  	_ =	swait.ge [sflag:s13], $0x3C00  }
0x2e: {  	[sflag:s13] =	ssyncset.done $0x0  }
0x2f: {  	[sflag:s13] =	ssyncadd.s32 $0xFFFFC400  }
0x30: {  	[spmem:s8] =	stream.linear.scatter [tilespmem:s12], [sflag:$0x1], $0x3C00, $0x38;
	[tilespmem:$0x1A800] =	vst v63  }
0x31: {  	_ =	swait.ge [sflag:s13], $0x3C00  }
0x32: {  	[sflag:s13] =	ssyncset.done $0x0  }
0x33: {  	[sflag:s13] =	ssyncadd.s32 $0xFFFFC400  }
0x34: {  	[spmem:s9] =	stream.linear.scatter [tilespmem:s12], [sflag:$0x1], $0x1400, $0x38;
	[tilespmem:$0x1A800] =	vst v63  }
0x35: {  	_ =	swait.ge [sflag:s13], $0x1400  }
0x36: {  	[sflag:s13] =	ssyncset.done $0x0  }
0x37: {  	s18 =	simm.s32 $0x0;
	s19 =	simm.s32 $0x200;
	[sflag:s13] =	ssyncadd.s32 $0xFFFFEC00  }
.LBB2_4:
0x38: {  	p0 =	sne.s32 s19, $0xF800;
	[tilespmem:s18+$0x2870] =	vst v1  }
0x39: {  	[tilespmem:s18+$0x2800] =	vst v1  }
0x3a: {  	[tilespmem:s18+$0x2810] =	vst v1  }
.Ltmp1:
0x3b: {  	[tilespmem:s18+$0x2820] =	vst v1;
	(pc) =	sbr.rel @p0 .LBB2_4-.Ltmp1, $4  }
0x3c: {  	[tilespmem:s18+$0x2830] =	vst v1  }
0x3d: {  	[tilespmem:s18+$0x2840] =	vst v1  }
0x3e: {  	[tilespmem:s18+$0x2850] =	vst v1  }
0x3f: {  	[tilespmem:s18+$0x2860] =	vst v1;
	s18 =	sshra.s32 s19, $0x2;
	s19 =	sadd.s32 $0x200, s19  }
0x40: {  	[tilespmem:s18+$0x2870] =	vst v1  }
0x41: {  	[tilespmem:s18+$0x2800] =	vst v1  }
0x42: {  	[tilespmem:s18+$0x2810] =	vst v1  }
0x43: {  	[tilespmem:s18+$0x2820] =	vst v1  }
0x44: {  	[tilespmem:s18+$0x2830] =	vst v1  }
0x45: {  	[tilespmem:s18+$0x2840] =	vst v1  }
0x46: {  	[tilespmem:s18+$0x2850] =	vst v1  }
0x47: {  	[tilespmem:s18+$0x2860] =	vst v1;
	s30 =	simm.s32 $0x0  }
0x48: {  	[tilespmem:s30], [sflag:$0x1] =	stream.linear.gather [hbm4b:s10+s30], $0x2800, $0x38;
	[tilespmem:$0x1A800] =	vst v63  }
0x49: {  	_ =	swait.ge [sflag:s13], $0x2800  }
0x4a: {  	[sflag:s13] =	ssyncset.done $0x0  }
0x4b: {  	[sflag:s13] =	ssyncadd.s32 $0xFFFFD800  }
0x4c: {  	s31 =	simm.s32 $0x0;
	[bflag:$0x0] =	sbarrier.arrive $0xFFFF  }
0x4d: {  	[spmem:s1] =	stream.indirect.scatter.add.f32 [tilespmem:s12], [sflag:$0x1], $0x80, s31, s14, $0xb8;
	[tilespmem:$0x1A800] =	vst v63  }
0x4e: {  	_ =	swait.ge [sflag:s13], $0x3E80  }
0x4f: {  	s18 =	simm.s32 $0x200;
	[sflag:s13] =	ssyncset.done $0x0  }
.LBB2_6:
0x50: {  	s19 =	sshra.s32 s18, $0x2;
	[sflag:s13] =	ssyncadd.s32 $0xFFFFC180;
	p0 =	sne.s32 s18, $0x9E00  }
0x51: {  	[spmem:s1] =	stream.indirect.scatter.add.f32 [tilespmem:s12], [sflag:$0x1], $0x80, s19, s14, $0xb8;
	[tilespmem:$0x1A800] =	vst v63  }
.Ltmp2:
0x52: {  	_ = 	snop;
	(pc) =	sbr.rel @p0 .LBB2_6-.Ltmp2, $4  }
0x53: {  	_ = 	snop  }
0x54: {  	s18 =	sadd.s32 $0x200, s18  }
0x55: {  	_ =	swait.ge [sflag:s13], $0x3E80  }
0x56: {  	[sflag:s13] =	ssyncset.done $0x0  }
0x57: {  	s3 =	sadd.s32 $0x1, s3  }
0x58: {  	[sflag:s13] =	ssyncadd.s32 $0xFFFFC180;
	p0 =	sne.s32 s3, s11  }
.Ltmp3:
0x59: {  	[bflag:$0x0] =	sbarrier.arrive $0xFFFF;
	(pc) =	sbr.rel @p0 .LBB2_1-.Ltmp3, $4  }
0x5a: {  	[hbm:s15], [sflag:s16] =	dma.local [spmem:s17], $0x2800  }
0x5b: {  	_ =	swait.ge [sflag:s13], $0x2800  }
0x5c: {  	[sflag:s13] =	ssyncset.done $0x0  }
0x5d: {  	[sflag:s13] =	ssyncadd.s32 $0xFFFFD800  }
0x5e: {  	_ =	sfence.sel $0x180000  }
0x5f: {  	[bflag:$0x0] =	sbarrier.arrive $0xFFFF  }
0x60: {  	p0 =	sne.s32 s2, $0x0;
	_ =	strace $0x90000047  }
0x61: {  	s0 =	sadd.s32 @!p0 $0x100000, s0;
	[bflag:$0x2] =	sbarrier.arrive $0xFFFF  }
0x62: {  	[sflag:s0] =	ssyncadd.tile.s32 @!p0 $0x1;
	_ =	shalt  }
.Lfunc_end2:
_tile_overlayer_lowered:
.L_overlay_start_2:
0x63: {  	(tag) =	ssettag $0x2  }
0x64: {  	s0 =	rddreg [dreg:$0x0];
	s2 =	stileid.u32  }
0x65: {  	s1 =	rddreg [dreg:$0x1];
	p0 =	sne.s32 s2, $0x0  }
0x66: {  	s3 =	rddreg [dreg:$0x2];
	[bflag:$0x3] =	sbarrier.arrive $0xFFFF;
	s2 =	simm.s32 @!p0 $0x1C01  }
0x67: {  	[timem:s3], [sflag:s2] =	dma.local @!p0 [hbm:s0], s1  }
0x68: {  	s0 =	simm.s32 @!p0 $0x1  }
0x69: {  	_ =	swait.ge @!p0 [sflag:s0], s1  }
0x6a: {  	s1 =	ssub.s32 @!p0 $0x0, s1;
	[sflag:s0] =	ssyncset.done @!p0 $0x0  }
0x6b: {  	[sflag:s0] =	ssyncadd.s32 @!p0 s1  }
0x6c: {  	[bflag:$0x3] =	sbarrier.arrive $0xFFFF  }
0x6d: {  	_ =	shalt  }

</sc_bundles>
